<compile_context>
chip_gen: v7x
topology: tpu7x:2x2x1
jax: 0.10.2.dev20260603
libtpu: 0.0.44.dev20260713+nightly
codegen_flags: <defaults>
</compile_context>

<pallas_src>
import functools

import jax
import jax.numpy as jnp
from jax import lax
from jax.experimental import pallas as pl
from jax.experimental.pallas import tpu as pltpu
from jax.experimental.pallas import tpu_sc as plsc

B = 16384
D = 32
NC = 2
NS = 16
NW = NC * NS
BPW = B // NW
CHUNK = 128
NCHUNK = BPW // CHUNK

TCHUNK = 81920


def _matvec_body(w_ref, x_ref, o_ref):
    s = jax.lax.dot_general(
        w_ref[...], x_ref[...], (((1,), (0,)), ((), ())),
        preferred_element_type=jnp.float32)
    o_ref[...] = s.reshape(1, 1, TCHUNK)


def _scores(xT, w):
    n = xT.shape[1]
    grid = (n + TCHUNK - 1) // TCHUNK
    out = pl.pallas_call(
        _matvec_body,
        grid=(grid,),
        in_specs=[
            pl.BlockSpec((1, D), lambda n: (0, 0)),
            pl.BlockSpec((D, TCHUNK), lambda n: (0, n)),
        ],
        out_specs=pl.BlockSpec((1, 1, TCHUNK), lambda n: (n, 0, 0)),
        out_shape=jax.ShapeDtypeStruct((grid, 1, TCHUNK), jnp.float32),
    )(w.reshape(1, D), xT)
    return out.reshape(grid * TCHUNK // 128, 128)


def _gather_body(idx_h, s_h, add_h, out_h,
                 raw, q, buf0, buf1, av, outv, sem, *maybe_shared):
    wid = lax.axis_index("s") * NC + lax.axis_index("c")
    base = wid * BPW
    per_elem = add_h.shape[0] == B

    pltpu.sync_copy(idx_h.at[pl.ds(base, BPW)], raw)
    if per_elem:
        pltpu.sync_copy(add_h.at[pl.ds(base, BPW)], av)
    else:
        pltpu.sync_copy(add_h, av)
    iota = lax.iota(jnp.int32, 16)

    if maybe_shared:
        s_shared = maybe_shared[0]
        rows = s_h.shape[0] // NS
        sid = lax.axis_index("s")
        pltpu.sync_copy(s_h.at[pl.ds(sid * rows, rows)],
                        s_shared.at[pl.ds(sid * rows, rows)])
        src = s_shared
    else:
        src = s_h

    def shift(g, carry):
        q[pl.ds(g * 16, 16)] = lax.shift_right_logical(
            raw[pl.ds(g * 16, 16)], 7)
        return carry

    lax.fori_loop(0, BPW // 16, shift, 0)
    if maybe_shared:
        plsc.subcore_barrier()

    bufs = [buf0, buf1]

    def fire(c):
        sl = pl.ds(c * CHUNK, CHUNK)
        return pltpu.async_copy(src.at[q.at[sl]], bufs[c % 2], sem)

    cp = fire(0)
    for c in range(NCHUNK):
        nxt = fire(c + 1) if c + 1 < NCHUNK else None
        cp.wait()
        buf = bufs[c % 2]

        def group(j, carry):
            row = iota + j * 16
            lane = raw[pl.ds(c * CHUNK + j * 16, 16)] & 127
            val = plsc.load_gather(buf, [row, lane])
            if per_elem:
                add = av[pl.ds(c * CHUNK + j * 16, 16)]
            else:
                add = av[pl.ds(0, 16)][0]
            outv[pl.ds(c * CHUNK + j * 16, 16)] = val + add
            return carry

        lax.fori_loop(0, CHUNK // 16, group, 0)
        cp = nxt

    pltpu.sync_copy(outv, out_h.at[pl.ds(base, BPW)])


def _gather_add(idx, scores, addend, stage_shared=False):
    scratch = [
        pltpu.VMEM((BPW,), jnp.int32),
        pltpu.VMEM((BPW,), jnp.int32),
        pltpu.VMEM((CHUNK, 128), jnp.float32),
        pltpu.VMEM((CHUNK, 128), jnp.float32),
        pltpu.VMEM((BPW if addend.shape[0] == B else 16,), jnp.float32),
        pltpu.VMEM((BPW,), jnp.float32),
        pltpu.SemaphoreType.DMA,
    ]
    if stage_shared:
        scratch.append(pltpu.VMEM_SHARED(scores.shape, jnp.float32))
    run = pl.kernel(
        _gather_body,
        mesh=plsc.VectorSubcoreMesh(core_axis_name="c", subcore_axis_name="s"),
        compiler_params=pltpu.CompilerParams(needs_layout_passes=False),
        out_type=jax.ShapeDtypeStruct((B,), jnp.float32),
        scratch_types=scratch,
    )
    return run(idx, scores, addend)


@functools.partial(jax.jit, static_argnames=())
def kernel(users, movies, user_table, movie_table, W, b):
    users = users.astype(jnp.int32)
    movies = movies.astype(jnp.int32)
    sm = _scores(movie_table.T, W[0, D:])
    su = _scores(user_table.T, W[0, :D])
    bias = jnp.broadcast_to(b, (16,)).astype(jnp.float32)
    partial = _gather_add(movies, sm, bias, stage_shared=True)
    out = _gather_add(users, su, partial)
    return out.reshape(B, 1)

# --- scband reference (transcript-rebuilt; emitter-appended) ---
"""Pipeline reference for scband-rec-sys-model-9586367004999 (READ-ONLY COPY).

The authoritative reference and input builder live on the scoring server;
editing this copy changes nothing except your own understanding.
"""

import jax, jax.numpy as jnp
import numpy as np

N_USERS = 1000000
N_MOVIES = 100000
EMBED = 32
BATCH = 16384

def setup_inputs(seed: int = 0) -> dict:
    key = jax.random.key(seed)
    k1, k2, k3, k4, k5, k6 = jax.random.split(key, 6)
    users = jax.random.randint(k1, (BATCH,), 0, N_USERS, dtype=jnp.int64 if jax.config.jax_enable_x64 else jnp.int32)
    movies = jax.random.randint(k2, (BATCH,), 0, N_MOVIES, dtype=jnp.int64 if jax.config.jax_enable_x64 else jnp.int32)
    user_table = jax.random.normal(k3, (N_USERS, EMBED), dtype=jnp.float32)
    movie_table = jax.random.normal(k4, (N_MOVIES, EMBED), dtype=jnp.float32)
    # nn.Linear(2*EMBED, 1): weight [1, 2*EMBED], bias [1]
    W = jax.random.normal(k5, (1, 2 * EMBED), dtype=jnp.float32) * (1.0 / np.sqrt(2 * EMBED))
    b = jax.random.normal(k6, (1,), dtype=jnp.float32) * 0.01
    return {"users": users, "movies": movies, "user_table": user_table, "movie_table": movie_table, "W": W, "b": b}

def reference(users, movies, user_table, movie_table, W, b):
    user_embed = jnp.take(user_table, users, axis=0)   # [B, EMBED]
    movie_embed = jnp.take(movie_table, movies, axis=0)  # [B, EMBED]
    x = jnp.concatenate([user_embed, movie_embed], axis=1)  # [B, 2*EMBED]
    out = x @ W.T + b  # [B, 1]
    return out

if __name__ == "__main__":
    import jax
    _d = setup_inputs()
    print(jax.jit(kernel)(*tuple(_d.values())))

</pallas_src>

<mosaic_0001>
#map = affine_map<(d0, d1) -> (0)>
#map1 = affine_map<(d0, d1) -> (0, 0)>
module attributes {stable_mosaic.version = 14 : i64} {
  func.func @_gather_body(%arg0: i32, %arg1: i32, %arg2: memref<16384xi32, #tpu.memory_space<hbm>>, %arg3: memref<8320x128xf32, #tpu.memory_space<hbm>>, %arg4: memref<16384xf32, #tpu.memory_space<hbm>>, %arg5: memref<16384xf32, #tpu.memory_space<hbm>>, %arg6: memref<512xi32, #tpu.memory_space<vmem>>, %arg7: memref<512xi32, #tpu.memory_space<vmem>>, %arg8: memref<128x128xf32, #tpu.memory_space<vmem>>, %arg9: memref<128x128xf32, #tpu.memory_space<vmem>>, %arg10: memref<512xf32, #tpu.memory_space<vmem>>, %arg11: memref<512xf32, #tpu.memory_space<vmem>>, %arg12: memref<!tpu.dma_semaphore, #tpu.memory_space<semaphore_mem>>) attributes {dimension_semantics = [#tpu.dimension_semantics<core_parallel>, #tpu.dimension_semantics<subcore_parallel>], iteration_bounds = array<i64: 2, 16>, scalar_prefetch = 0 : i64, scratch_operands = 7 : i64, tpu.core_type = #tpu.core_type<sc_vector_subcore>, window_params = [{transform_indices = #map}, {transform_indices = #map1}, {transform_indices = #map}, {transform_indices = #map}]} {
    %mul3A = arith.constant 2 : i32
    %mul3A_0 = arith.muli %arg1, %mul3A : i32
    %add3A = arith.addi %mul3A_0, %arg0 : i32
    %mul3A_1 = arith.constant 512 : i32
    %mul3A_2 = arith.muli %add3A, %mul3A_1 : i32
    "tpu.region"() ({
      %run_scoped3A = tpu.sem_alloc : memref<!tpu.dma_semaphore, #tpu.memory_space<semaphore_mem>>
      %dma_start3A_70 = tpu.memref_slice %arg2[%mul3A_2] : memref<16384xi32, #tpu.memory_space<hbm>> -> memref<512xi32, #tpu.memory_space<hbm>>
      %dma_start3A_71 = tpu.memref_slice %arg2[%mul3A_2] : memref<16384xi32, #tpu.memory_space<hbm>> -> memref<512xi32, #tpu.memory_space<hbm>>
      tpu.enqueue_dma source(%dma_start3A_71 : memref<512xi32, #tpu.memory_space<hbm>>) target(%arg6 : memref<512xi32, #tpu.memory_space<vmem>>) target_semaphore(%run_scoped3A : memref<!tpu.dma_semaphore, #tpu.memory_space<semaphore_mem>>)
      %dma_wait3A_72 = tpu.memref_slice %arg2[%mul3A_2] : memref<16384xi32, #tpu.memory_space<hbm>> -> memref<512xi32, #tpu.memory_space<hbm>>
      %dma_wait3A_73 = tpu.memref_slice %arg2[%mul3A_2] : memref<16384xi32, #tpu.memory_space<hbm>> -> memref<512xi32, #tpu.memory_space<hbm>>
      tpu.wait_dma2 semaphore(%run_scoped3A : memref<!tpu.dma_semaphore, #tpu.memory_space<semaphore_mem>>) src(%dma_wait3A_73 : memref<512xi32, #tpu.memory_space<hbm>>) dst(%arg6 : memref<512xi32, #tpu.memory_space<vmem>>)
      tpu.yield
    }) : () -> ()
    "tpu.region"() ({
      %run_scoped3A = tpu.sem_alloc : memref<!tpu.dma_semaphore, #tpu.memory_space<semaphore_mem>>
      %dma_start3A_70 = tpu.memref_slice %arg4[%mul3A_2] : memref<16384xf32, #tpu.memory_space<hbm>> -> memref<512xf32, #tpu.memory_space<hbm>>
      %dma_start3A_71 = tpu.memref_slice %arg4[%mul3A_2] : memref<16384xf32, #tpu.memory_space<hbm>> -> memref<512xf32, #tpu.memory_space<hbm>>
      tpu.enqueue_dma source(%dma_start3A_71 : memref<512xf32, #tpu.memory_space<hbm>>) target(%arg10 : memref<512xf32, #tpu.memory_space<vmem>>) target_semaphore(%run_scoped3A : memref<!tpu.dma_semaphore, #tpu.memory_space<semaphore_mem>>)
      %dma_wait3A_72 = tpu.memref_slice %arg4[%mul3A_2] : memref<16384xf32, #tpu.memory_space<hbm>> -> memref<512xf32, #tpu.memory_space<hbm>>
      %dma_wait3A_73 = tpu.memref_slice %arg4[%mul3A_2] : memref<16384xf32, #tpu.memory_space<hbm>> -> memref<512xf32, #tpu.memory_space<hbm>>
      tpu.wait_dma2 semaphore(%run_scoped3A : memref<!tpu.dma_semaphore, #tpu.memory_space<semaphore_mem>>) src(%dma_wait3A_73 : memref<512xf32, #tpu.memory_space<hbm>>) dst(%arg10 : memref<512xf32, #tpu.memory_space<vmem>>)
      tpu.yield
    }) : () -> ()
    %iota3A = tpu.iota {dimensions = array<i32: 0>} : vector<16xi32>
    %scan3A = arith.constant 0 : i32
    %scan3A_3 = arith.constant 0 : i32
    %scan3A_4 = arith.constant 32 : i32
    %scan3A_5 = arith.addi %scan3A_3, %scan3A_4 : i32
    %scan3A_6 = arith.constant 1 : i32
    scf.for %scan3A_70 = %scan3A_3 to %scan3A_5 step %scan3A_6  : i32 {
      %mul3A_71 = arith.constant 16 : i32
      %mul3A_72 = arith.muli %scan3A_70, %mul3A_71 : i32
      %get3A = arith.index_cast %mul3A_72 : i32 to index
      %get3A_73 = tpu.vector_load %arg6[%get3A] {strides = array<i32>} : memref<512xi32, #tpu.memory_space<vmem>>, vector<16xi32>,
      %shift_right_logical3A = arith.constant 7 : i32
      %shift_right_logical3A_74 = vector.broadcast %shift_right_logical3A : i32 to vector<16xi32>
      %shift_right_logical3A_75 = arith.shrui %get3A_73, %shift_right_logical3A_74 : vector<16xi32>
      %mul3A_76 = arith.constant 16 : i32
      %mul3A_77 = arith.muli %scan3A_70, %mul3A_76 : i32
      %swap3A = arith.index_cast %mul3A_77 : i32 to index
      %swap3A_78 = tpu.vector_load %arg7[%swap3A] {strides = array<i32>} : memref<512xi32, #tpu.memory_space<vmem>>, vector<16xi32>,
      tpu.vector_store %arg7[%swap3A], %shift_right_logical3A_75 {strides = array<i32>} : memref<512xi32, #tpu.memory_space<vmem>>, vector<16xi32>,
    }
    %scan3A_7 = arith.constant 32 : i32
    %dma_start3A = arith.constant 0 : i32
    %dma_start3A_8 = tpu.memref_slice %arg7[%dma_start3A] : memref<512xi32, #tpu.memory_space<vmem>> -> memref<128xi32, #tpu.memory_space<vmem>>
    %dma_start3A_9 = arith.constant 0 : i32
    %dma_start3A_10 = arith.constant 0 : i32
    %dma_start3A_11 = tpu.memref_slice %arg3[%dma_start3A_9, %dma_start3A_10] : memref<8320x128xf32, #tpu.memory_space<hbm>> -> memref<8320x128xf32, #tpu.memory_space<hbm>>
    tpu.enqueue_indirect_dma source(%dma_start3A_11 : memref<8320x128xf32, #tpu.memory_space<hbm>>) target(%arg8 : memref<128x128xf32, #tpu.memory_space<vmem>>) offsets(%dma_start3A_8 : memref<128xi32, #tpu.memory_space<vmem>>) semaphore(%arg12 : memref<!tpu.dma_semaphore, #tpu.memory_space<semaphore_mem>>)
    %dma_start3A_12 = arith.constant 128 : i32
    %dma_start3A_13 = tpu.memref_slice %arg7[%dma_start3A_12] : memref<512xi32, #tpu.memory_space<vmem>> -> memref<128xi32, #tpu.memory_space<vmem>>
    %dma_start3A_14 = arith.constant 0 : i32
    %dma_start3A_15 = arith.constant 0 : i32
    %dma_start3A_16 = tpu.memref_slice %arg3[%dma_start3A_14, %dma_start3A_15] : memref<8320x128xf32, #tpu.memory_space<hbm>> -> memref<8320x128xf32, #tpu.memory_space<hbm>>
    tpu.enqueue_indirect_dma source(%dma_start3A_16 : memref<8320x128xf32, #tpu.memory_space<hbm>>) target(%arg9 : memref<128x128xf32, #tpu.memory_space<vmem>>) offsets(%dma_start3A_13 : memref<128xi32, #tpu.memory_space<vmem>>) semaphore(%arg12 : memref<!tpu.dma_semaphore, #tpu.memory_space<semaphore_mem>>)
    %dma_wait3A = arith.constant 0 : i32
    %dma_wait3A_17 = tpu.memref_slice %arg7[%dma_wait3A] : memref<512xi32, #tpu.memory_space<vmem>> -> memref<128xi32, #tpu.memory_space<vmem>>
    %dma_wait3A_18 = arith.constant 0 : i32
    %dma_wait3A_19 = arith.constant 0 : i32
    %dma_wait3A_20 = tpu.memref_slice %arg3[%dma_wait3A_18, %dma_wait3A_19] : memref<8320x128xf32, #tpu.memory_space<hbm>> -> memref<8320x128xf32, #tpu.memory_space<hbm>>
    tpu.wait_indirect_dma semaphore(%arg12 : memref<!tpu.dma_semaphore, #tpu.memory_space<semaphore_mem>>) src(%dma_wait3A_20 : memref<8320x128xf32, #tpu.memory_space<hbm>>) dst(%arg8 : memref<128x128xf32, #tpu.memory_space<vmem>>)
    %scan3A_21 = arith.constant 0 : i32
    %scan3A_22 = arith.constant 0 : i32
    %scan3A_23 = arith.constant 8 : i32
    %scan3A_24 = arith.addi %scan3A_22, %scan3A_23 : i32
    %scan3A_25 = arith.constant 1 : i32
    scf.for %scan3A_70 = %scan3A_22 to %scan3A_24 step %scan3A_25  : i32 {
      %mul3A_71 = arith.constant 16 : i32
      %mul3A_72 = arith.muli %scan3A_70, %mul3A_71 : i32
      %add3A_73 = vector.broadcast %mul3A_72 : i32 to vector<16xi32>
      %add3A_74 = arith.addi %iota3A, %add3A_73 : vector<16xi32>
      %mul3A_75 = arith.constant 16 : i32
      %mul3A_76 = arith.muli %scan3A_70, %mul3A_75 : i32
      %add3A_77 = arith.constant 0 : i32
      %add3A_78 = arith.addi %add3A_77, %mul3A_76 : i32
      %get3A = arith.index_cast %add3A_78 : i32 to index
      %get3A_79 = tpu.vector_load %arg6[%get3A] {strides = array<i32>} : memref<512xi32, #tpu.memory_space<vmem>>, vector<16xi32>,
      %and3A = arith.constant 127 : i32
      %and3A_80 = vector.broadcast %and3A : i32 to vector<16xi32>
      %and3A_81 = arith.andi %get3A_79, %and3A_80 : vector<16xi32>
      %gather3A = tpu.vector_load_idx %arg8[%add3A_74, %and3A_81] : memref<128x128xf32, #tpu.memory_space<vmem>>[vector<16xi32>, vector<16xi32>], vector<16xf32>,
      %mul3A_82 = arith.constant 16 : i32
      %mul3A_83 = arith.muli %scan3A_70, %mul3A_82 : i32
      %add3A_84 = arith.constant 0 : i32
      %add3A_85 = arith.addi %add3A_84, %mul3A_83 : i32
      %get3A_86 = arith.index_cast %add3A_85 : i32 to index
      %get3A_87 = tpu.vector_load %arg10[%get3A_86] {strides = array<i32>} : memref<512xf32, #tpu.memory_space<vmem>>, vector<16xf32>,
      %add3A_88 = arith.addf %gather3A, %get3A_87 : vector<16xf32>
      %mul3A_89 = arith.constant 16 : i32
      %mul3A_90 = arith.muli %scan3A_70, %mul3A_89 : i32
      %add3A_91 = arith.constant 0 : i32
      %add3A_92 = arith.addi %add3A_91, %mul3A_90 : i32
      %swap3A = arith.index_cast %add3A_92 : i32 to index
      %swap3A_93 = tpu.vector_load %arg11[%swap3A] {strides = array<i32>} : memref<512xf32, #tpu.memory_space<vmem>>, vector<16xf32>,
      tpu.vector_store %arg11[%swap3A], %add3A_88 {strides = array<i32>} : memref<512xf32, #tpu.memory_space<vmem>>, vector<16xf32>,
    }
    %scan3A_26 = arith.constant 8 : i32
    %dma_start3A_27 = arith.constant 256 : i32
    %dma_start3A_28 = tpu.memref_slice %arg7[%dma_start3A_27] : memref<512xi32, #tpu.memory_space<vmem>> -> memref<128xi32, #tpu.memory_space<vmem>>
    %dma_start3A_29 = arith.constant 0 : i32
    %dma_start3A_30 = arith.constant 0 : i32
    %dma_start3A_31 = tpu.memref_slice %arg3[%dma_start3A_29, %dma_start3A_30] : memref<8320x128xf32, #tpu.memory_space<hbm>> -> memref<8320x128xf32, #tpu.memory_space<hbm>>
    tpu.enqueue_indirect_dma source(%dma_start3A_31 : memref<8320x128xf32, #tpu.memory_space<hbm>>) target(%arg8 : memref<128x128xf32, #tpu.memory_space<vmem>>) offsets(%dma_start3A_28 : memref<128xi32, #tpu.memory_space<vmem>>) semaphore(%arg12 : memref<!tpu.dma_semaphore, #tpu.memory_space<semaphore_mem>>)
    %dma_wait3A_32 = arith.constant 128 : i32
    %dma_wait3A_33 = tpu.memref_slice %arg7[%dma_wait3A_32] : memref<512xi32, #tpu.memory_space<vmem>> -> memref<128xi32, #tpu.memory_space<vmem>>
    %dma_wait3A_34 = arith.constant 0 : i32
    %dma_wait3A_35 = arith.constant 0 : i32
    %dma_wait3A_36 = tpu.memref_slice %arg3[%dma_wait3A_34, %dma_wait3A_35] : memref<8320x128xf32, #tpu.memory_space<hbm>> -> memref<8320x128xf32, #tpu.memory_space<hbm>>
    tpu.wait_indirect_dma semaphore(%arg12 : memref<!tpu.dma_semaphore, #tpu.memory_space<semaphore_mem>>) src(%dma_wait3A_36 : memref<8320x128xf32, #tpu.memory_space<hbm>>) dst(%arg9 : memref<128x128xf32, #tpu.memory_space<vmem>>)
    %scan3A_37 = arith.constant 0 : i32
    %scan3A_38 = arith.constant 0 : i32
    %scan3A_39 = arith.constant 8 : i32
    %scan3A_40 = arith.addi %scan3A_38, %scan3A_39 : i32
    %scan3A_41 = arith.constant 1 : i32
    scf.for %scan3A_70 = %scan3A_38 to %scan3A_40 step %scan3A_41  : i32 {
      %mul3A_71 = arith.constant 16 : i32
      %mul3A_72 = arith.muli %scan3A_70, %mul3A_71 : i32
      %add3A_73 = vector.broadcast %mul3A_72 : i32 to vector<16xi32>
      %add3A_74 = arith.addi %iota3A, %add3A_73 : vector<16xi32>
      %mul3A_75 = arith.constant 16 : i32
      %mul3A_76 = arith.muli %scan3A_70, %mul3A_75 : i32
      %add3A_77 = arith.constant 128 : i32
      %add3A_78 = arith.addi %add3A_77, %mul3A_76 : i32
      %get3A = arith.index_cast %add3A_78 : i32 to index
      %get3A_79 = tpu.vector_load %arg6[%get3A] {strides = array<i32>} : memref<512xi32, #tpu.memory_space<vmem>>, vector<16xi32>,
      %and3A = arith.constant 127 : i32
      %and3A_80 = vector.broadcast %and3A : i32 to vector<16xi32>
      %and3A_81 = arith.andi %get3A_79, %and3A_80 : vector<16xi32>
      %gather3A = tpu.vector_load_idx %arg9[%add3A_74, %and3A_81] : memref<128x128xf32, #tpu.memory_space<vmem>>[vector<16xi32>, vector<16xi32>], vector<16xf32>,
      %mul3A_82 = arith.constant 16 : i32
      %mul3A_83 = arith.muli %scan3A_70, %mul3A_82 : i32
      %add3A_84 = arith.constant 128 : i32
      %add3A_85 = arith.addi %add3A_84, %mul3A_83 : i32
      %get3A_86 = arith.index_cast %add3A_85 : i32 to index
      %get3A_87 = tpu.vector_load %arg10[%get3A_86] {strides = array<i32>} : memref<512xf32, #tpu.memory_space<vmem>>, vector<16xf32>,
      %add3A_88 = arith.addf %gather3A, %get3A_87 : vector<16xf32>
      %mul3A_89 = arith.constant 16 : i32
      %mul3A_90 = arith.muli %scan3A_70, %mul3A_89 : i32
      %add3A_91 = arith.constant 128 : i32
      %add3A_92 = arith.addi %add3A_91, %mul3A_90 : i32
      %swap3A = arith.index_cast %add3A_92 : i32 to index
      %swap3A_93 = tpu.vector_load %arg11[%swap3A] {strides = array<i32>} : memref<512xf32, #tpu.memory_space<vmem>>, vector<16xf32>,
      tpu.vector_store %arg11[%swap3A], %add3A_88 {strides = array<i32>} : memref<512xf32, #tpu.memory_space<vmem>>, vector<16xf32>,
    }
    %scan3A_42 = arith.constant 8 : i32
    %dma_start3A_43 = arith.constant 384 : i32
    %dma_start3A_44 = tpu.memref_slice %arg7[%dma_start3A_43] : memref<512xi32, #tpu.memory_space<vmem>> -> memref<128xi32, #tpu.memory_space<vmem>>
    %dma_start3A_45 = arith.constant 0 : i32
    %dma_start3A_46 = arith.constant 0 : i32
    %dma_start3A_47 = tpu.memref_slice %arg3[%dma_start3A_45, %dma_start3A_46] : memref<8320x128xf32, #tpu.memory_space<hbm>> -> memref<8320x128xf32, #tpu.memory_space<hbm>>
    tpu.enqueue_indirect_dma source(%dma_start3A_47 : memref<8320x128xf32, #tpu.memory_space<hbm>>) target(%arg9 : memref<128x128xf32, #tpu.memory_space<vmem>>) offsets(%dma_start3A_44 : memref<128xi32, #tpu.memory_space<vmem>>) semaphore(%arg12 : memref<!tpu.dma_semaphore, #tpu.memory_space<semaphore_mem>>)
    %dma_wait3A_48 = arith.constant 256 : i32
    %dma_wait3A_49 = tpu.memref_slice %arg7[%dma_wait3A_48] : memref<512xi32, #tpu.memory_space<vmem>> -> memref<128xi32, #tpu.memory_space<vmem>>
    %dma_wait3A_50 = arith.constant 0 : i32
    %dma_wait3A_51 = arith.constant 0 : i32
    %dma_wait3A_52 = tpu.memref_slice %arg3[%dma_wait3A_50, %dma_wait3A_51] : memref<8320x128xf32, #tpu.memory_space<hbm>> -> memref<8320x128xf32, #tpu.memory_space<hbm>>
    tpu.wait_indirect_dma semaphore(%arg12 : memref<!tpu.dma_semaphore, #tpu.memory_space<semaphore_mem>>) src(%dma_wait3A_52 : memref<8320x128xf32, #tpu.memory_space<hbm>>) dst(%arg8 : memref<128x128xf32, #tpu.memory_space<vmem>>)
    %scan3A_53 = arith.constant 0 : i32
    %scan3A_54 = arith.constant 0 : i32
    %scan3A_55 = arith.constant 8 : i32
    %scan3A_56 = arith.addi %scan3A_54, %scan3A_55 : i32
    %scan3A_57 = arith.constant 1 : i32
    scf.for %scan3A_70 = %scan3A_54 to %scan3A_56 step %scan3A_57  : i32 {
      %mul3A_71 = arith.constant 16 : i32
      %mul3A_72 = arith.muli %scan3A_70, %mul3A_71 : i32
      %add3A_73 = vector.broadcast %mul3A_72 : i32 to vector<16xi32>
      %add3A_74 = arith.addi %iota3A, %add3A_73 : vector<16xi32>
      %mul3A_75 = arith.constant 16 : i32
      %mul3A_76 = arith.muli %scan3A_70, %mul3A_75 : i32
      %add3A_77 = arith.constant 256 : i32
      %add3A_78 = arith.addi %add3A_77, %mul3A_76 : i32
      %get3A = arith.index_cast %add3A_78 : i32 to index
      %get3A_79 = tpu.vector_load %arg6[%get3A] {strides = array<i32>} : memref<512xi32, #tpu.memory_space<vmem>>, vector<16xi32>,
      %and3A = arith.constant 127 : i32
      %and3A_80 = vector.broadcast %and3A : i32 to vector<16xi32>
      %and3A_81 = arith.andi %get3A_79, %and3A_80 : vector<16xi32>
      %gather3A = tpu.vector_load_idx %arg8[%add3A_74, %and3A_81] : memref<128x128xf32, #tpu.memory_space<vmem>>[vector<16xi32>, vector<16xi32>], vector<16xf32>,
      %mul3A_82 = arith.constant 16 : i32
      %mul3A_83 = arith.muli %scan3A_70, %mul3A_82 : i32
      %add3A_84 = arith.constant 256 : i32
      %add3A_85 = arith.addi %add3A_84, %mul3A_83 : i32
      %get3A_86 = arith.index_cast %add3A_85 : i32 to index
      %get3A_87 = tpu.vector_load %arg10[%get3A_86] {strides = array<i32>} : memref<512xf32, #tpu.memory_space<vmem>>, vector<16xf32>,
      %add3A_88 = arith.addf %gather3A, %get3A_87 : vector<16xf32>
      %mul3A_89 = arith.constant 16 : i32
      %mul3A_90 = arith.muli %scan3A_70, %mul3A_89 : i32
      %add3A_91 = arith.constant 256 : i32
      %add3A_92 = arith.addi %add3A_91, %mul3A_90 : i32
      %swap3A = arith.index_cast %add3A_92 : i32 to index
      %swap3A_93 = tpu.vector_load %arg11[%swap3A] {strides = array<i32>} : memref<512xf32, #tpu.memory_space<vmem>>, vector<16xf32>,
      tpu.vector_store %arg11[%swap3A], %add3A_88 {strides = array<i32>} : memref<512xf32, #tpu.memory_space<vmem>>, vector<16xf32>,
    }
    %scan3A_58 = arith.constant 8 : i32
    %dma_wait3A_59 = arith.constant 384 : i32
    %dma_wait3A_60 = tpu.memref_slice %arg7[%dma_wait3A_59] : memref<512xi32, #tpu.memory_space<vmem>> -> memref<128xi32, #tpu.memory_space<vmem>>
    %dma_wait3A_61 = arith.constant 0 : i32
    %dma_wait3A_62 = arith.constant 0 : i32
    %dma_wait3A_63 = tpu.memref_slice %arg3[%dma_wait3A_61, %dma_wait3A_62] : memref<8320x128xf32, #tpu.memory_space<hbm>> -> memref<8320x128xf32, #tpu.memory_space<hbm>>
    tpu.wait_indirect_dma semaphore(%arg12 : memref<!tpu.dma_semaphore, #tpu.memory_space<semaphore_mem>>) src(%dma_wait3A_63 : memref<8320x128xf32, #tpu.memory_space<hbm>>) dst(%arg9 : memref<128x128xf32, #tpu.memory_space<vmem>>)
    %scan3A_64 = arith.constant 0 : i32
    %scan3A_65 = arith.constant 0 : i32
    %scan3A_66 = arith.constant 8 : i32
    %scan3A_67 = arith.addi %scan3A_65, %scan3A_66 : i32
    %scan3A_68 = arith.constant 1 : i32
    scf.for %scan3A_70 = %scan3A_65 to %scan3A_67 step %scan3A_68  : i32 {
      %mul3A_71 = arith.constant 16 : i32
      %mul3A_72 = arith.muli %scan3A_70, %mul3A_71 : i32
      %add3A_73 = vector.broadcast %mul3A_72 : i32 to vector<16xi32>
      %add3A_74 = arith.addi %iota3A, %add3A_73 : vector<16xi32>
      %mul3A_75 = arith.constant 16 : i32
      %mul3A_76 = arith.muli %scan3A_70, %mul3A_75 : i32
      %add3A_77 = arith.constant 384 : i32
      %add3A_78 = arith.addi %add3A_77, %mul3A_76 : i32
      %get3A = arith.index_cast %add3A_78 : i32 to index
      %get3A_79 = tpu.vector_load %arg6[%get3A] {strides = array<i32>} : memref<512xi32, #tpu.memory_space<vmem>>, vector<16xi32>,
      %and3A = arith.constant 127 : i32
      %and3A_80 = vector.broadcast %and3A : i32 to vector<16xi32>
      %and3A_81 = arith.andi %get3A_79, %and3A_80 : vector<16xi32>
      %gather3A = tpu.vector_load_idx %arg9[%add3A_74, %and3A_81] : memref<128x128xf32, #tpu.memory_space<vmem>>[vector<16xi32>, vector<16xi32>], vector<16xf32>,
      %mul3A_82 = arith.constant 16 : i32
      %mul3A_83 = arith.muli %scan3A_70, %mul3A_82 : i32
      %add3A_84 = arith.constant 384 : i32
      %add3A_85 = arith.addi %add3A_84, %mul3A_83 : i32
      %get3A_86 = arith.index_cast %add3A_85 : i32 to index
      %get3A_87 = tpu.vector_load %arg10[%get3A_86] {strides = array<i32>} : memref<512xf32, #tpu.memory_space<vmem>>, vector<16xf32>,
      %add3A_88 = arith.addf %gather3A, %get3A_87 : vector<16xf32>
      %mul3A_89 = arith.constant 16 : i32
      %mul3A_90 = arith.muli %scan3A_70, %mul3A_89 : i32
      %add3A_91 = arith.constant 384 : i32
      %add3A_92 = arith.addi %add3A_91, %mul3A_90 : i32
      %swap3A = arith.index_cast %add3A_92 : i32 to index
      %swap3A_93 = tpu.vector_load %arg11[%swap3A] {strides = array<i32>} : memref<512xf32, #tpu.memory_space<vmem>>, vector<16xf32>,
      tpu.vector_store %arg11[%swap3A], %add3A_88 {strides = array<i32>} : memref<512xf32, #tpu.memory_space<vmem>>, vector<16xf32>,
    }
    %scan3A_69 = arith.constant 8 : i32
    "tpu.region"() ({
      %run_scoped3A = tpu.sem_alloc : memref<!tpu.dma_semaphore, #tpu.memory_space<semaphore_mem>>
      %dma_start3A_70 = tpu.memref_slice %arg5[%mul3A_2] : memref<16384xf32, #tpu.memory_space<hbm>> -> memref<512xf32, #tpu.memory_space<hbm>>
      %dma_start3A_71 = tpu.memref_slice %arg5[%mul3A_2] : memref<16384xf32, #tpu.memory_space<hbm>> -> memref<512xf32, #tpu.memory_space<hbm>>
      tpu.enqueue_dma source(%arg11 : memref<512xf32, #tpu.memory_space<vmem>>) target(%dma_start3A_71 : memref<512xf32, #tpu.memory_space<hbm>>) target_semaphore(%run_scoped3A : memref<!tpu.dma_semaphore, #tpu.memory_space<semaphore_mem>>)
      %dma_wait3A_72 = tpu.memref_slice %arg5[%mul3A_2] : memref<16384xf32, #tpu.memory_space<hbm>> -> memref<512xf32, #tpu.memory_space<hbm>>
      %dma_wait3A_73 = tpu.memref_slice %arg5[%mul3A_2] : memref<16384xf32, #tpu.memory_space<hbm>> -> memref<512xf32, #tpu.memory_space<hbm>>
      tpu.wait_dma2 semaphore(%run_scoped3A : memref<!tpu.dma_semaphore, #tpu.memory_space<semaphore_mem>>) src(%arg11 : memref<512xf32, #tpu.memory_space<vmem>>) dst(%dma_wait3A_73 : memref<512xf32, #tpu.memory_space<hbm>>)
      tpu.yield
    }) : () -> ()
    return
  }
}

#map = affine_map<(d0, d1) -> (0)>
#map1 = affine_map<(d0, d1) -> (0, 0)>
module attributes {stable_mosaic.version = 14 : i64} {
  func.func @_gather_body(%arg0: i32, %arg1: i32, %arg2: memref<16384xi32, #tpu.memory_space<hbm>>, %arg3: memref<1280x128xf32, #tpu.memory_space<hbm>>, %arg4: memref<16xf32, #tpu.memory_space<hbm>>, %arg5: memref<16384xf32, #tpu.memory_space<hbm>>, %arg6: memref<512xi32, #tpu.memory_space<vmem>>, %arg7: memref<512xi32, #tpu.memory_space<vmem>>, %arg8: memref<128x128xf32, #tpu.memory_space<vmem>>, %arg9: memref<128x128xf32, #tpu.memory_space<vmem>>, %arg10: memref<16xf32, #tpu.memory_space<vmem>>, %arg11: memref<512xf32, #tpu.memory_space<vmem>>, %arg12: memref<!tpu.dma_semaphore, #tpu.memory_space<semaphore_mem>>, %arg13: memref<1280x128xf32, #tpu.memory_space<vmem_shared>>) attributes {dimension_semantics = [#tpu.dimension_semantics<core_parallel>, #tpu.dimension_semantics<subcore_parallel>], iteration_bounds = array<i64: 2, 16>, scalar_prefetch = 0 : i64, scratch_operands = 8 : i64, tpu.core_type = #tpu.core_type<sc_vector_subcore>, window_params = [{transform_indices = #map}, {transform_indices = #map1}, {transform_indices = #map}, {transform_indices = #map}]} {
    %mul3A = arith.constant 2 : i32
    %mul3A_0 = arith.muli %arg1, %mul3A : i32
    %add3A = arith.addi %mul3A_0, %arg0 : i32
    %mul3A_1 = arith.constant 512 : i32
    %mul3A_2 = arith.muli %add3A, %mul3A_1 : i32
    "tpu.region"() ({
      %run_scoped3A = tpu.sem_alloc : memref<!tpu.dma_semaphore, #tpu.memory_space<semaphore_mem>>
      %dma_start3A_74 = tpu.memref_slice %arg2[%mul3A_2] : memref<16384xi32, #tpu.memory_space<hbm>> -> memref<512xi32, #tpu.memory_space<hbm>>
      %dma_start3A_75 = tpu.memref_slice %arg2[%mul3A_2] : memref<16384xi32, #tpu.memory_space<hbm>> -> memref<512xi32, #tpu.memory_space<hbm>>
      tpu.enqueue_dma source(%dma_start3A_75 : memref<512xi32, #tpu.memory_space<hbm>>) target(%arg6 : memref<512xi32, #tpu.memory_space<vmem>>) target_semaphore(%run_scoped3A : memref<!tpu.dma_semaphore, #tpu.memory_space<semaphore_mem>>)
      %dma_wait3A_76 = tpu.memref_slice %arg2[%mul3A_2] : memref<16384xi32, #tpu.memory_space<hbm>> -> memref<512xi32, #tpu.memory_space<hbm>>
      %dma_wait3A_77 = tpu.memref_slice %arg2[%mul3A_2] : memref<16384xi32, #tpu.memory_space<hbm>> -> memref<512xi32, #tpu.memory_space<hbm>>
      tpu.wait_dma2 semaphore(%run_scoped3A : memref<!tpu.dma_semaphore, #tpu.memory_space<semaphore_mem>>) src(%dma_wait3A_77 : memref<512xi32, #tpu.memory_space<hbm>>) dst(%arg6 : memref<512xi32, #tpu.memory_space<vmem>>)
      tpu.yield
    }) : () -> ()
    "tpu.region"() ({
      %run_scoped3A = tpu.sem_alloc : memref<!tpu.dma_semaphore, #tpu.memory_space<semaphore_mem>>
      tpu.enqueue_dma source(%arg4 : memref<16xf32, #tpu.memory_space<hbm>>) target(%arg10 : memref<16xf32, #tpu.memory_space<vmem>>) target_semaphore(%run_scoped3A : memref<!tpu.dma_semaphore, #tpu.memory_space<semaphore_mem>>)
      tpu.wait_dma2 semaphore(%run_scoped3A : memref<!tpu.dma_semaphore, #tpu.memory_space<semaphore_mem>>) src(%arg4 : memref<16xf32, #tpu.memory_space<hbm>>) dst(%arg10 : memref<16xf32, #tpu.memory_space<vmem>>)
      tpu.yield
    }) : () -> ()
    %iota3A = tpu.iota {dimensions = array<i32: 0>} : vector<16xi32>
    %mul3A_3 = arith.constant 80 : i32
    %mul3A_4 = arith.muli %arg1, %mul3A_3 : i32
    %mul3A_5 = arith.constant 80 : i32
    %mul3A_6 = arith.muli %arg1, %mul3A_5 : i32
    "tpu.region"() ({
      %run_scoped3A = tpu.sem_alloc : memref<!tpu.dma_semaphore, #tpu.memory_space<semaphore_mem>>
      %dma_start3A_74 = arith.constant 0 : i32
      %dma_start3A_75 = tpu.memref_slice %arg13[%mul3A_6, %dma_start3A_74] : memref<1280x128xf32, #tpu.memory_space<vmem_shared>> -> memref<80x128xf32, #tpu.memory_space<vmem_shared>>
      %dma_start3A_76 = arith.constant 0 : i32
      %dma_start3A_77 = tpu.memref_slice %arg3[%mul3A_4, %dma_start3A_76] : memref<1280x128xf32, #tpu.memory_space<hbm>> -> memref<80x128xf32, #tpu.memory_space<hbm>>
      tpu.enqueue_dma source(%dma_start3A_77 : memref<80x128xf32, #tpu.memory_space<hbm>>) target(%dma_start3A_75 : memref<80x128xf32, #tpu.memory_space<vmem_shared>>) target_semaphore(%run_scoped3A : memref<!tpu.dma_semaphore, #tpu.memory_space<semaphore_mem>>)
      %dma_wait3A_78 = arith.constant 0 : i32
      %dma_wait3A_79 = tpu.memref_slice %arg13[%mul3A_6, %dma_wait3A_78] : memref<1280x128xf32, #tpu.memory_space<vmem_shared>> -> memref<80x128xf32, #tpu.memory_space<vmem_shared>>
      %dma_wait3A_80 = arith.constant 0 : i32
      %dma_wait3A_81 = tpu.memref_slice %arg3[%mul3A_4, %dma_wait3A_80] : memref<1280x128xf32, #tpu.memory_space<hbm>> -> memref<80x128xf32, #tpu.memory_space<hbm>>
      tpu.wait_dma2 semaphore(%run_scoped3A : memref<!tpu.dma_semaphore, #tpu.memory_space<semaphore_mem>>) src(%dma_wait3A_81 : memref<80x128xf32, #tpu.memory_space<hbm>>) dst(%dma_wait3A_79 : memref<80x128xf32, #tpu.memory_space<vmem_shared>>)
      tpu.yield
    }) : () -> ()
    %scan3A = arith.constant 0 : i32
    %scan3A_7 = arith.constant 0 : i32
    %scan3A_8 = arith.constant 32 : i32
    %scan3A_9 = arith.addi %scan3A_7, %scan3A_8 : i32
    %scan3A_10 = arith.constant 1 : i32
    scf.for %scan3A_74 = %scan3A_7 to %scan3A_9 step %scan3A_10  : i32 {
      %mul3A_75 = arith.constant 16 : i32
      %mul3A_76 = arith.muli %scan3A_74, %mul3A_75 : i32
      %get3A = arith.index_cast %mul3A_76 : i32 to index
      %get3A_77 = tpu.vector_load %arg6[%get3A] {strides = array<i32>} : memref<512xi32, #tpu.memory_space<vmem>>, vector<16xi32>,
      %shift_right_logical3A = arith.constant 7 : i32
      %shift_right_logical3A_78 = vector.broadcast %shift_right_logical3A : i32 to vector<16xi32>
      %shift_right_logical3A_79 = arith.shrui %get3A_77, %shift_right_logical3A_78 : vector<16xi32>
      %mul3A_80 = arith.constant 16 : i32
      %mul3A_81 = arith.muli %scan3A_74, %mul3A_80 : i32
      %swap3A = arith.index_cast %mul3A_81 : i32 to index
      %swap3A_82 = tpu.vector_load %arg7[%swap3A] {strides = array<i32>} : memref<512xi32, #tpu.memory_space<vmem>>, vector<16xi32>,
      tpu.vector_store %arg7[%swap3A], %shift_right_logical3A_79 {strides = array<i32>} : memref<512xi32, #tpu.memory_space<vmem>>, vector<16xi32>,
    }
    %scan3A_11 = arith.constant 32 : i32
    %barrier3A = arith.constant 0 : index
    tpu.barrier barrier_id(%barrier3A)
    %dma_start3A = arith.constant 0 : i32
    %dma_start3A_12 = tpu.memref_slice %arg7[%dma_start3A] : memref<512xi32, #tpu.memory_space<vmem>> -> memref<128xi32, #tpu.memory_space<vmem>>
    %dma_start3A_13 = arith.constant 0 : i32
    %dma_start3A_14 = arith.constant 0 : i32
    %dma_start3A_15 = tpu.memref_slice %arg13[%dma_start3A_13, %dma_start3A_14] : memref<1280x128xf32, #tpu.memory_space<vmem_shared>> -> memref<1280x128xf32, #tpu.memory_space<vmem_shared>>
    tpu.enqueue_indirect_dma source(%dma_start3A_15 : memref<1280x128xf32, #tpu.memory_space<vmem_shared>>) target(%arg8 : memref<128x128xf32, #tpu.memory_space<vmem>>) offsets(%dma_start3A_12 : memref<128xi32, #tpu.memory_space<vmem>>) semaphore(%arg12 : memref<!tpu.dma_semaphore, #tpu.memory_space<semaphore_mem>>)
    %dma_start3A_16 = arith.constant 128 : i32
    %dma_start3A_17 = tpu.memref_slice %arg7[%dma_start3A_16] : memref<512xi32, #tpu.memory_space<vmem>> -> memref<128xi32, #tpu.memory_space<vmem>>
    %dma_start3A_18 = arith.constant 0 : i32
    %dma_start3A_19 = arith.constant 0 : i32
    %dma_start3A_20 = tpu.memref_slice %arg13[%dma_start3A_18, %dma_start3A_19] : memref<1280x128xf32, #tpu.memory_space<vmem_shared>> -> memref<1280x128xf32, #tpu.memory_space<vmem_shared>>
    tpu.enqueue_indirect_dma source(%dma_start3A_20 : memref<1280x128xf32, #tpu.memory_space<vmem_shared>>) target(%arg9 : memref<128x128xf32, #tpu.memory_space<vmem>>) offsets(%dma_start3A_17 : memref<128xi32, #tpu.memory_space<vmem>>) semaphore(%arg12 : memref<!tpu.dma_semaphore, #tpu.memory_space<semaphore_mem>>)
    %dma_wait3A = arith.constant 0 : i32
    %dma_wait3A_21 = tpu.memref_slice %arg7[%dma_wait3A] : memref<512xi32, #tpu.memory_space<vmem>> -> memref<128xi32, #tpu.memory_space<vmem>>
    %dma_wait3A_22 = arith.constant 0 : i32
    %dma_wait3A_23 = arith.constant 0 : i32
    %dma_wait3A_24 = tpu.memref_slice %arg13[%dma_wait3A_22, %dma_wait3A_23] : memref<1280x128xf32, #tpu.memory_space<vmem_shared>> -> memref<1280x128xf32, #tpu.memory_space<vmem_shared>>
    tpu.wait_indirect_dma semaphore(%arg12 : memref<!tpu.dma_semaphore, #tpu.memory_space<semaphore_mem>>) src(%dma_wait3A_24 : memref<1280x128xf32, #tpu.memory_space<vmem_shared>>) dst(%arg8 : memref<128x128xf32, #tpu.memory_space<vmem>>)
    %scan3A_25 = arith.constant 0 : i32
    %scan3A_26 = arith.constant 0 : i32
    %scan3A_27 = arith.constant 8 : i32
    %scan3A_28 = arith.addi %scan3A_26, %scan3A_27 : i32
    %scan3A_29 = arith.constant 1 : i32
    scf.for %scan3A_74 = %scan3A_26 to %scan3A_28 step %scan3A_29  : i32 {
      %mul3A_75 = arith.constant 16 : i32
      %mul3A_76 = arith.muli %scan3A_74, %mul3A_75 : i32
      %add3A_77 = vector.broadcast %mul3A_76 : i32 to vector<16xi32>
      %add3A_78 = arith.addi %iota3A, %add3A_77 : vector<16xi32>
      %mul3A_79 = arith.constant 16 : i32
      %mul3A_80 = arith.muli %scan3A_74, %mul3A_79 : i32
      %add3A_81 = arith.constant 0 : i32
      %add3A_82 = arith.addi %add3A_81, %mul3A_80 : i32
      %get3A = arith.index_cast %add3A_82 : i32 to index
      %get3A_83 = tpu.vector_load %arg6[%get3A] {strides = array<i32>} : memref<512xi32, #tpu.memory_space<vmem>>, vector<16xi32>,
      %and3A = arith.constant 127 : i32
      %and3A_84 = vector.broadcast %and3A : i32 to vector<16xi32>
      %and3A_85 = arith.andi %get3A_83, %and3A_84 : vector<16xi32>
      %gather3A = tpu.vector_load_idx %arg8[%add3A_78, %and3A_85] : memref<128x128xf32, #tpu.memory_space<vmem>>[vector<16xi32>, vector<16xi32>], vector<16xf32>,
      %get3A_86 = arith.constant 0 : index
      %get3A_87 = tpu.vector_load %arg10[%get3A_86] {strides = array<i32>} : memref<16xf32, #tpu.memory_space<vmem>>, vector<16xf32>,
      %slice3A = vector.extract_strided_slice %get3A_87 {offsets = [0], sizes = [1], strides = [1]} : vector<16xf32> to vector<1xf32>
      %squeeze3A = vector.extract %slice3A[0] : f32 from vector<1xf32>
      %add3A_88 = vector.broadcast %squeeze3A : f32 to vector<16xf32>
      %add3A_89 = arith.addf %gather3A, %add3A_88 : vector<16xf32>
      %mul3A_90 = arith.constant 16 : i32
      %mul3A_91 = arith.muli %scan3A_74, %mul3A_90 : i32
      %add3A_92 = arith.constant 0 : i32
      %add3A_93 = arith.addi %add3A_92, %mul3A_91 : i32
      %swap3A = arith.index_cast %add3A_93 : i32 to index
      %swap3A_94 = tpu.vector_load %arg11[%swap3A] {strides = array<i32>} : memref<512xf32, #tpu.memory_space<vmem>>, vector<16xf32>,
      tpu.vector_store %arg11[%swap3A], %add3A_89 {strides = array<i32>} : memref<512xf32, #tpu.memory_space<vmem>>, vector<16xf32>,
    }
    %scan3A_30 = arith.constant 8 : i32
    %dma_start3A_31 = arith.constant 256 : i32
    %dma_start3A_32 = tpu.memref_slice %arg7[%dma_start3A_31] : memref<512xi32, #tpu.memory_space<vmem>> -> memref<128xi32, #tpu.memory_space<vmem>>
    %dma_start3A_33 = arith.constant 0 : i32
    %dma_start3A_34 = arith.constant 0 : i32
    %dma_start3A_35 = tpu.memref_slice %arg13[%dma_start3A_33, %dma_start3A_34] : memref<1280x128xf32, #tpu.memory_space<vmem_shared>> -> memref<1280x128xf32, #tpu.memory_space<vmem_shared>>
    tpu.enqueue_indirect_dma source(%dma_start3A_35 : memref<1280x128xf32, #tpu.memory_space<vmem_shared>>) target(%arg8 : memref<128x128xf32, #tpu.memory_space<vmem>>) offsets(%dma_start3A_32 : memref<128xi32, #tpu.memory_space<vmem>>) semaphore(%arg12 : memref<!tpu.dma_semaphore, #tpu.memory_space<semaphore_mem>>)
    %dma_wait3A_36 = arith.constant 128 : i32
    %dma_wait3A_37 = tpu.memref_slice %arg7[%dma_wait3A_36] : memref<512xi32, #tpu.memory_space<vmem>> -> memref<128xi32, #tpu.memory_space<vmem>>
    %dma_wait3A_38 = arith.constant 0 : i32
    %dma_wait3A_39 = arith.constant 0 : i32
    %dma_wait3A_40 = tpu.memref_slice %arg13[%dma_wait3A_38, %dma_wait3A_39] : memref<1280x128xf32, #tpu.memory_space<vmem_shared>> -> memref<1280x128xf32, #tpu.memory_space<vmem_shared>>
    tpu.wait_indirect_dma semaphore(%arg12 : memref<!tpu.dma_semaphore, #tpu.memory_space<semaphore_mem>>) src(%dma_wait3A_40 : memref<1280x128xf32, #tpu.memory_space<vmem_shared>>) dst(%arg9 : memref<128x128xf32, #tpu.memory_space<vmem>>)
    %scan3A_41 = arith.constant 0 : i32
    %scan3A_42 = arith.constant 0 : i32
    %scan3A_43 = arith.constant 8 : i32
    %scan3A_44 = arith.addi %scan3A_42, %scan3A_43 : i32
    %scan3A_45 = arith.constant 1 : i32
    scf.for %scan3A_74 = %scan3A_42 to %scan3A_44 step %scan3A_45  : i32 {
      %mul3A_75 = arith.constant 16 : i32
      %mul3A_76 = arith.muli %scan3A_74, %mul3A_75 : i32
      %add3A_77 = vector.broadcast %mul3A_76 : i32 to vector<16xi32>
      %add3A_78 = arith.addi %iota3A, %add3A_77 : vector<16xi32>
      %mul3A_79 = arith.constant 16 : i32
      %mul3A_80 = arith.muli %scan3A_74, %mul3A_79 : i32
      %add3A_81 = arith.constant 128 : i32
      %add3A_82 = arith.addi %add3A_81, %mul3A_80 : i32
      %get3A = arith.index_cast %add3A_82 : i32 to index
      %get3A_83 = tpu.vector_load %arg6[%get3A] {strides = array<i32>} : memref<512xi32, #tpu.memory_space<vmem>>, vector<16xi32>,
      %and3A = arith.constant 127 : i32
      %and3A_84 = vector.broadcast %and3A : i32 to vector<16xi32>
      %and3A_85 = arith.andi %get3A_83, %and3A_84 : vector<16xi32>
      %gather3A = tpu.vector_load_idx %arg9[%add3A_78, %and3A_85] : memref<128x128xf32, #tpu.memory_space<vmem>>[vector<16xi32>, vector<16xi32>], vector<16xf32>,
      %get3A_86 = arith.constant 0 : index
      %get3A_87 = tpu.vector_load %arg10[%get3A_86] {strides = array<i32>} : memref<16xf32, #tpu.memory_space<vmem>>, vector<16xf32>,
      %slice3A = vector.extract_strided_slice %get3A_87 {offsets = [0], sizes = [1], strides = [1]} : vector<16xf32> to vector<1xf32>
      %squeeze3A = vector.extract %slice3A[0] : f32 from vector<1xf32>
      %add3A_88 = vector.broadcast %squeeze3A : f32 to vector<16xf32>
      %add3A_89 = arith.addf %gather3A, %add3A_88 : vector<16xf32>
      %mul3A_90 = arith.constant 16 : i32
      %mul3A_91 = arith.muli %scan3A_74, %mul3A_90 : i32
      %add3A_92 = arith.constant 128 : i32
      %add3A_93 = arith.addi %add3A_92, %mul3A_91 : i32
      %swap3A = arith.index_cast %add3A_93 : i32 to index
      %swap3A_94 = tpu.vector_load %arg11[%swap3A] {strides = array<i32>} : memref<512xf32, #tpu.memory_space<vmem>>, vector<16xf32>,
      tpu.vector_store %arg11[%swap3A], %add3A_89 {strides = array<i32>} : memref<512xf32, #tpu.memory_space<vmem>>, vector<16xf32>,
    }
    %scan3A_46 = arith.constant 8 : i32
    %dma_start3A_47 = arith.constant 384 : i32
    %dma_start3A_48 = tpu.memref_slice %arg7[%dma_start3A_47] : memref<512xi32, #tpu.memory_space<vmem>> -> memref<128xi32, #tpu.memory_space<vmem>>
    %dma_start3A_49 = arith.constant 0 : i32
    %dma_start3A_50 = arith.constant 0 : i32
    %dma_start3A_51 = tpu.memref_slice %arg13[%dma_start3A_49, %dma_start3A_50] : memref<1280x128xf32, #tpu.memory_space<vmem_shared>> -> memref<1280x128xf32, #tpu.memory_space<vmem_shared>>
    tpu.enqueue_indirect_dma source(%dma_start3A_51 : memref<1280x128xf32, #tpu.memory_space<vmem_shared>>) target(%arg9 : memref<128x128xf32, #tpu.memory_space<vmem>>) offsets(%dma_start3A_48 : memref<128xi32, #tpu.memory_space<vmem>>) semaphore(%arg12 : memref<!tpu.dma_semaphore, #tpu.memory_space<semaphore_mem>>)
    %dma_wait3A_52 = arith.constant 256 : i32
    %dma_wait3A_53 = tpu.memref_slice %arg7[%dma_wait3A_52] : memref<512xi32, #tpu.memory_space<vmem>> -> memref<128xi32, #tpu.memory_space<vmem>>
    %dma_wait3A_54 = arith.constant 0 : i32
    %dma_wait3A_55 = arith.constant 0 : i32
    %dma_wait3A_56 = tpu.memref_slice %arg13[%dma_wait3A_54, %dma_wait3A_55] : memref<1280x128xf32, #tpu.memory_space<vmem_shared>> -> memref<1280x128xf32, #tpu.memory_space<vmem_shared>>
    tpu.wait_indirect_dma semaphore(%arg12 : memref<!tpu.dma_semaphore, #tpu.memory_space<semaphore_mem>>) src(%dma_wait3A_56 : memref<1280x128xf32, #tpu.memory_space<vmem_shared>>) dst(%arg8 : memref<128x128xf32, #tpu.memory_space<vmem>>)
    %scan3A_57 = arith.constant 0 : i32
    %scan3A_58 = arith.constant 0 : i32
    %scan3A_59 = arith.constant 8 : i32
    %scan3A_60 = arith.addi %scan3A_58, %scan3A_59 : i32
    %scan3A_61 = arith.constant 1 : i32
    scf.for %scan3A_74 = %scan3A_58 to %scan3A_60 step %scan3A_61  : i32 {
      %mul3A_75 = arith.constant 16 : i32
      %mul3A_76 = arith.muli %scan3A_74, %mul3A_75 : i32
      %add3A_77 = vector.broadcast %mul3A_76 : i32 to vector<16xi32>
      %add3A_78 = arith.addi %iota3A, %add3A_77 : vector<16xi32>
      %mul3A_79 = arith.constant 16 : i32
      %mul3A_80 = arith.muli %scan3A_74, %mul3A_79 : i32
      %add3A_81 = arith.constant 256 : i32
      %add3A_82 = arith.addi %add3A_81, %mul3A_80 : i32
      %get3A = arith.index_cast %add3A_82 : i32 to index
      %get3A_83 = tpu.vector_load %arg6[%get3A] {strides = array<i32>} : memref<512xi32, #tpu.memory_space<vmem>>, vector<16xi32>,
      %and3A = arith.constant 127 : i32
      %and3A_84 = vector.broadcast %and3A : i32 to vector<16xi32>
      %and3A_85 = arith.andi %get3A_83, %and3A_84 : vector<16xi32>
      %gather3A = tpu.vector_load_idx %arg8[%add3A_78, %and3A_85] : memref<128x128xf32, #tpu.memory_space<vmem>>[vector<16xi32>, vector<16xi32>], vector<16xf32>,
      %get3A_86 = arith.constant 0 : index
      %get3A_87 = tpu.vector_load %arg10[%get3A_86] {strides = array<i32>} : memref<16xf32, #tpu.memory_space<vmem>>, vector<16xf32>,
      %slice3A = vector.extract_strided_slice %get3A_87 {offsets = [0], sizes = [1], strides = [1]} : vector<16xf32> to vector<1xf32>
      %squeeze3A = vector.extract %slice3A[0] : f32 from vector<1xf32>
      %add3A_88 = vector.broadcast %squeeze3A : f32 to vector<16xf32>
      %add3A_89 = arith.addf %gather3A, %add3A_88 : vector<16xf32>
      %mul3A_90 = arith.constant 16 : i32
      %mul3A_91 = arith.muli %scan3A_74, %mul3A_90 : i32
      %add3A_92 = arith.constant 256 : i32
      %add3A_93 = arith.addi %add3A_92, %mul3A_91 : i32
      %swap3A = arith.index_cast %add3A_93 : i32 to index
      %swap3A_94 = tpu.vector_load %arg11[%swap3A] {strides = array<i32>} : memref<512xf32, #tpu.memory_space<vmem>>, vector<16xf32>,
      tpu.vector_store %arg11[%swap3A], %add3A_89 {strides = array<i32>} : memref<512xf32, #tpu.memory_space<vmem>>, vector<16xf32>,
    }
    %scan3A_62 = arith.constant 8 : i32
    %dma_wait3A_63 = arith.constant 384 : i32
    %dma_wait3A_64 = tpu.memref_slice %arg7[%dma_wait3A_63] : memref<512xi32, #tpu.memory_space<vmem>> -> memref<128xi32, #tpu.memory_space<vmem>>
    %dma_wait3A_65 = arith.constant 0 : i32
    %dma_wait3A_66 = arith.constant 0 : i32
    %dma_wait3A_67 = tpu.memref_slice %arg13[%dma_wait3A_65, %dma_wait3A_66] : memref<1280x128xf32, #tpu.memory_space<vmem_shared>> -> memref<1280x128xf32, #tpu.memory_space<vmem_shared>>
    tpu.wait_indirect_dma semaphore(%arg12 : memref<!tpu.dma_semaphore, #tpu.memory_space<semaphore_mem>>) src(%dma_wait3A_67 : memref<1280x128xf32, #tpu.memory_space<vmem_shared>>) dst(%arg9 : memref<128x128xf32, #tpu.memory_space<vmem>>)
    %scan3A_68 = arith.constant 0 : i32
    %scan3A_69 = arith.constant 0 : i32
    %scan3A_70 = arith.constant 8 : i32
    %scan3A_71 = arith.addi %scan3A_69, %scan3A_70 : i32
    %scan3A_72 = arith.constant 1 : i32
    scf.for %scan3A_74 = %scan3A_69 to %scan3A_71 step %scan3A_72  : i32 {
      %mul3A_75 = arith.constant 16 : i32
      %mul3A_76 = arith.muli %scan3A_74, %mul3A_75 : i32
      %add3A_77 = vector.broadcast %mul3A_76 : i32 to vector<16xi32>
      %add3A_78 = arith.addi %iota3A, %add3A_77 : vector<16xi32>
      %mul3A_79 = arith.constant 16 : i32
      %mul3A_80 = arith.muli %scan3A_74, %mul3A_79 : i32
      %add3A_81 = arith.constant 384 : i32
      %add3A_82 = arith.addi %add3A_81, %mul3A_80 : i32
      %get3A = arith.index_cast %add3A_82 : i32 to index
      %get3A_83 = tpu.vector_load %arg6[%get3A] {strides = array<i32>} : memref<512xi32, #tpu.memory_space<vmem>>, vector<16xi32>,
      %and3A = arith.constant 127 : i32
      %and3A_84 = vector.broadcast %and3A : i32 to vector<16xi32>
      %and3A_85 = arith.andi %get3A_83, %and3A_84 : vector<16xi32>
      %gather3A = tpu.vector_load_idx %arg9[%add3A_78, %and3A_85] : memref<128x128xf32, #tpu.memory_space<vmem>>[vector<16xi32>, vector<16xi32>], vector<16xf32>,
      %get3A_86 = arith.constant 0 : index
      %get3A_87 = tpu.vector_load %arg10[%get3A_86] {strides = array<i32>} : memref<16xf32, #tpu.memory_space<vmem>>, vector<16xf32>,
      %slice3A = vector.extract_strided_slice %get3A_87 {offsets = [0], sizes = [1], strides = [1]} : vector<16xf32> to vector<1xf32>
      %squeeze3A = vector.extract %slice3A[0] : f32 from vector<1xf32>
      %add3A_88 = vector.broadcast %squeeze3A : f32 to vector<16xf32>
      %add3A_89 = arith.addf %gather3A, %add3A_88 : vector<16xf32>
      %mul3A_90 = arith.constant 16 : i32
      %mul3A_91 = arith.muli %scan3A_74, %mul3A_90 : i32
      %add3A_92 = arith.constant 384 : i32
      %add3A_93 = arith.addi %add3A_92, %mul3A_91 : i32
      %swap3A = arith.index_cast %add3A_93 : i32 to index
      %swap3A_94 = tpu.vector_load %arg11[%swap3A] {strides = array<i32>} : memref<512xf32, #tpu.memory_space<vmem>>, vector<16xf32>,
      tpu.vector_store %arg11[%swap3A], %add3A_89 {strides = array<i32>} : memref<512xf32, #tpu.memory_space<vmem>>, vector<16xf32>,
    }
    %scan3A_73 = arith.constant 8 : i32
    "tpu.region"() ({
      %run_scoped3A = tpu.sem_alloc : memref<!tpu.dma_semaphore, #tpu.memory_space<semaphore_mem>>
      %dma_start3A_74 = tpu.memref_slice %arg5[%mul3A_2] : memref<16384xf32, #tpu.memory_space<hbm>> -> memref<512xf32, #tpu.memory_space<hbm>>
      %dma_start3A_75 = tpu.memref_slice %arg5[%mul3A_2] : memref<16384xf32, #tpu.memory_space<hbm>> -> memref<512xf32, #tpu.memory_space<hbm>>
      tpu.enqueue_dma source(%arg11 : memref<512xf32, #tpu.memory_space<vmem>>) target(%dma_start3A_75 : memref<512xf32, #tpu.memory_space<hbm>>) target_semaphore(%run_scoped3A : memref<!tpu.dma_semaphore, #tpu.memory_space<semaphore_mem>>)
      %dma_wait3A_76 = tpu.memref_slice %arg5[%mul3A_2] : memref<16384xf32, #tpu.memory_space<hbm>> -> memref<512xf32, #tpu.memory_space<hbm>>
      %dma_wait3A_77 = tpu.memref_slice %arg5[%mul3A_2] : memref<16384xf32, #tpu.memory_space<hbm>> -> memref<512xf32, #tpu.memory_space<hbm>>
      tpu.wait_dma2 semaphore(%run_scoped3A : memref<!tpu.dma_semaphore, #tpu.memory_space<semaphore_mem>>) src(%arg11 : memref<512xf32, #tpu.memory_space<vmem>>) dst(%dma_wait3A_77 : memref<512xf32, #tpu.memory_space<hbm>>)
      tpu.yield
    }) : () -> ()
    return
  }
}

module attributes {stable_mosaic.version = 14 : i64} {
  func.func @_matvec_body(%arg0: i32, %arg1: memref<1x32xf32, #tpu.memory_space<vmem>>, %arg2: memref<32x81920xf32, #tpu.memory_space<vmem>>, %arg3: memref<1x1x81920xf32, #tpu.memory_space<vmem>>) attributes {dimension_semantics = [#tpu.dimension_semantics<arbitrary>], iteration_bounds = array<i64: 2>, scalar_prefetch = 0 : i64, scratch_operands = 0 : i64, tpu.core_type = #tpu.core_type<tc>, window_params = [{pipeline_mode = #tpu.pipeline_mode<synchronous>, transform_indices = @transform_0, window_bounds = array<i64: 1, 32>}, {transform_indices = @transform_1, window_bounds = array<i64: 32, 81920>}, {transform_indices = @transform_2, window_bounds = array<i64: 1, 1, 81920>}]} {
    %get3A = arith.constant 0 : index
    %get3A_0 = arith.constant 0 : index
    %get3A_1 = vector.load %arg1[%get3A, %get3A_0] : memref<1x32xf32, #tpu.memory_space<vmem>>, vector<1x32xf32>
    %get3A_2 = arith.constant 0 : index
    %get3A_3 = arith.constant 0 : index
    %get3A_4 = vector.load %arg2[%get3A_2, %get3A_3] : memref<32x81920xf32, #tpu.memory_space<vmem>>, vector<32x81920xf32>
    %dot_general3A = arith.constant dense<0.000000e+00> : vector<1x81920xf32>
    %dot_general3A_5 = tpu.matmul %get3A_1, %get3A_4, %dot_general3A {dimension_numbers = #tpu.dot_dimension_numbers<[1], [0], [0], [1], [0, 0, 1, 1], [], []>, transpose_lhs_hint = false} : vector<1x32xf32>, vector<32x81920xf32>, vector<1x81920xf32> -> vector<1x81920xf32>
    %reshape3A = vector.shape_cast %dot_general3A_5 : vector<1x81920xf32> to vector<1x1x81920xf32>
    %swap3A = arith.constant 0 : index
    %swap3A_6 = arith.constant 0 : index
    %swap3A_7 = arith.constant 0 : index
    %swap3A_8 = vector.load %arg3[%swap3A, %swap3A_6, %swap3A_7] : memref<1x1x81920xf32, #tpu.memory_space<vmem>>, vector<1x1x81920xf32>
    tpu.vector_store %arg3[%swap3A, %swap3A_6, %swap3A_7], %reshape3A {strides = array<i32>} : memref<1x1x81920xf32, #tpu.memory_space<vmem>>, vector<1x1x81920xf32>,
    return
  }
  func.func @transform_0(%arg0: i32) -> (i32, i32) {
    %c0_i32 = arith.constant 0 : i32
    %c0_i32_0 = arith.constant 0 : i32
    %c0_i32_1 = arith.constant 0 : i32
    return %c0_i32, %c0_i32_0 : i32, i32
  }
  func.func @transform_1(%arg0: i32) -> (i32, i32) {
    %c0_i32 = arith.constant 0 : i32
    %c0_i32_0 = arith.constant 0 : i32
    return %c0_i32, %arg0 : i32, i32
  }
  func.func @transform_2(%arg0: i32) -> (i32, i32, i32) {
    %c0_i32 = arith.constant 0 : i32
    %c0_i32_0 = arith.constant 0 : i32
    %c0_i32_1 = arith.constant 0 : i32
    return %arg0, %c0_i32, %c0_i32_0 : i32, i32, i32
  }
}

module attributes {stable_mosaic.version = 14 : i64} {
  func.func @_matvec_body(%arg0: i32, %arg1: memref<1x32xf32, #tpu.memory_space<vmem>>, %arg2: memref<32x81920xf32, #tpu.memory_space<vmem>>, %arg3: memref<1x1x81920xf32, #tpu.memory_space<vmem>>) attributes {dimension_semantics = [#tpu.dimension_semantics<arbitrary>], iteration_bounds = array<i64: 13>, scalar_prefetch = 0 : i64, scratch_operands = 0 : i64, tpu.core_type = #tpu.core_type<tc>, window_params = [{pipeline_mode = #tpu.pipeline_mode<synchronous>, transform_indices = @transform_0, window_bounds = array<i64: 1, 32>}, {transform_indices = @transform_1, window_bounds = array<i64: 32, 81920>}, {transform_indices = @transform_2, window_bounds = array<i64: 1, 1, 81920>}]} {
    %get3A = arith.constant 0 : index
    %get3A_0 = arith.constant 0 : index
    %get3A_1 = vector.load %arg1[%get3A, %get3A_0] : memref<1x32xf32, #tpu.memory_space<vmem>>, vector<1x32xf32>
    %get3A_2 = arith.constant 0 : index
    %get3A_3 = arith.constant 0 : index
    %get3A_4 = vector.load %arg2[%get3A_2, %get3A_3] : memref<32x81920xf32, #tpu.memory_space<vmem>>, vector<32x81920xf32>
    %dot_general3A = arith.constant dense<0.000000e+00> : vector<1x81920xf32>
    %dot_general3A_5 = tpu.matmul %get3A_1, %get3A_4, %dot_general3A {dimension_numbers = #tpu.dot_dimension_numbers<[1], [0], [0], [1], [0, 0, 1, 1], [], []>, transpose_lhs_hint = false} : vector<1x32xf32>, vector<32x81920xf32>, vector<1x81920xf32> -> vector<1x81920xf32>
    %reshape3A = vector.shape_cast %dot_general3A_5 : vector<1x81920xf32> to vector<1x1x81920xf32>
    %swap3A = arith.constant 0 : index
    %swap3A_6 = arith.constant 0 : index
    %swap3A_7 = arith.constant 0 : index
    %swap3A_8 = vector.load %arg3[%swap3A, %swap3A_6, %swap3A_7] : memref<1x1x81920xf32, #tpu.memory_space<vmem>>, vector<1x1x81920xf32>
    tpu.vector_store %arg3[%swap3A, %swap3A_6, %swap3A_7], %reshape3A {strides = array<i32>} : memref<1x1x81920xf32, #tpu.memory_space<vmem>>, vector<1x1x81920xf32>,
    return
  }
  func.func @transform_0(%arg0: i32) -> (i32, i32) {
    %c0_i32 = arith.constant 0 : i32
    %c0_i32_0 = arith.constant 0 : i32
    %c0_i32_1 = arith.constant 0 : i32
    return %c0_i32, %c0_i32_0 : i32, i32
  }
  func.func @transform_1(%arg0: i32) -> (i32, i32) {
    %c0_i32 = arith.constant 0 : i32
    %c0_i32_0 = arith.constant 0 : i32
    return %c0_i32, %arg0 : i32, i32
  }
  func.func @transform_2(%arg0: i32) -> (i32, i32, i32) {
    %c0_i32 = arith.constant 0 : i32
    %c0_i32_0 = arith.constant 0 : i32
    %c0_i32_1 = arith.constant 0 : i32
    return %arg0, %c0_i32, %c0_i32_0 : i32, i32, i32
  }
}

</mosaic_0001>

<sc_bundles>
// kernel: kernel.6.cloned.1.call-start
scs
__scs_entry_jumppad:
0x0: {  	(pc) =	sbr.rel $0x88, $3  }
0x1: {  	(tag) =	ssettag $0x0;
	lr =	simm.s32 $0x1  }
0x2: {  	[smem:$0x3F9B] =	sst lr;
	_ =	strace $0xD0000000  }
0x3: {  	_ = 	snop  }
0x4: {  	_ = 	snop  }
0x5: {  	_ = 	snop  }
0x6: {  	_ = 	snop  }
0x7: {  	_ = 	snop  }
__scs_overlays_trampoline_lowered:
0x8: {  	[smem:$0x3FAA] =	sst s0  }
0x9: {  	[smem:$0x3FAB] =	sst s1  }
0xa: {  	[smem:$0x3FAC] =	sst s2  }
0xb: {  	[smem:$0x3FAD] =	sst s3  }
0xc: {  	[smem:$0x3FAE] =	sst s4  }
0xd: {  	[smem:$0x3FAF] =	sst s5  }
0xe: {  	[smem:$0x3FB0] =	sst s6  }
0xf: {  	[smem:$0x3FB1] =	sst s7  }
0x10: {  	[smem:$0x3FB2] =	sst s8  }
0x11: {  	[smem:$0x3FB3] =	sst s9;
	s0 =	simm.s32 @!p0 $0x0  }
0x12: {  	s1 =	sld [smem:$0x3F99];
	s0 =	simm.s32 @p0 $0x1  }
0x13: {  	[smem:$0x3FB4] =	sst s0;
	s0 =	simm.s32 @!p1 $0x0  }
0x14: {  	s2 =	sld [smem:$0x3F98];
	s0 =	simm.s32 @p1 $0x1  }
0x15: {  	[smem:$0x3FB5] =	sst s0;
	s0 =	simm.s32 @!p2 $0x0  }
0x16: {  	s3 =	sld [smem:$0x3FDB];
	s0 =	simm.s32 @p2 $0x1  }
0x17: {  	s4 =	simm.s32 $0x1BF5;
	[smem:$0x3FB7] =	sst s0  }
0x18: {  	s0 =	sld [smem:$0x3F9A];
	_ =	swait.ge [sflag:s4], $0x0  }
0x19: {  	s7 =	sld [smem:$0x3F9B]  }
0x1a: {  	s8 =	sadd.s32 $0xFFFFE003, lr  }
0x1b: {  	s9 =	sadd.s32 $0xFFFFFEF7, lr;
	s5 =	simm.s32 $0xFFFFFFFF;
	p2 =	slt.u32 s8, $0xFFFFF086  }
0x1c: {  	p1 =	slt.u32 s9, $0xF7A;
	s5 =	simm.s32 @!p2 $0x0  }
0x1d: {  	s5 =	simm.s32 @p1 $0x1;
	p0 =	seq.s32 s7, s2  }
0x1e: {  	s7 =	smul.u32 @!p0 $0xF7A, s2;
	p2 =	seq.s32 @!p0 s5, $0x0  }
0x1f: {  	s9 =	smul.u32 $0xF7A, s1;
	s8 =	simm.s32 @!p0 $0x1BF5;
	p2 =	por !p2, p0  }
0x20: {  	[sflag:s8] =	ssyncset.s32 @!p0 $0xFFFFF086;
	s6 =	sadd.s32 @!p0 s3, s7;
	s7 =	simm.s32 @!p0 $0x108  }
0x21: {  	s3 =	sadd.s32 s3, s9;
	s6 =	sadd.s32 @!p0 $0x88, s6;
	s7 =	simm.s32 @p2 $0x1082  }
0x22: {  	[simem:s7], [sflag:s8] =	dma.local @!p0 [hbm:s6], $0xF7A  }
0x23: {  	s9 =	sor.u32 $0xD0000000, s2;
	s6 =	simm.s32 $0x108;
	_ =	swait.ge @!p0 [sflag:s8], $0x0  }
0x24: {  	s3 =	sadd.s32 $0x88, s3;
	s6 =	simm.s32 @!p1 $0x1082;
	[sflag:s4] =	ssyncset.s32 $0xFFFFF086  }
0x25: {  	[simem:s6], [sflag:s4] =	dma.local [hbm:s3], $0xF7A  }
0x26: {  	[smem:$0x3F9B] =	sst s1;
	(tag) =	ssettag s2;
	_ =	strace s9  }
0x27: {  	s1 =	sld [smem:$0x3FAB]  }
0x28: {  	s2 =	sld [smem:$0x3FAC]  }
0x29: {  	s4 =	sld [smem:$0x3FAE]  }
0x2a: {  	p0 =	seq.s32 s5, $0x0;
	s5 =	sld [smem:$0x3FAF]  }
0x2b: {  	s6 =	sld [smem:$0x3FB0]  }
0x2c: {  	s7 =	sld [smem:$0x3FB1]  }
0x2d: {  	s3 =	simm.s32 $0x108;
	s8 =	sld [smem:$0x3FB2]  }
0x2e: {  	s3 =	simm.s32 @!p0 $0x1082;
	s9 =	sld [smem:$0x3FB3]  }
0x2f: {  	lr =	sadd.s32 s0, s3;
	s0 =	sld [smem:$0x3FAA]  }
0x30: {  	s3 =	sld [smem:$0x3FAD]  }
0x31: {  	[smem:$0x3FB6] =	sst s10  }
0x32: {  	s10 =	sld [smem:$0x3FB4];
	_ =	sdelay $0x3  }
0x33: {  	p0 =	seq.s32 s10, $0x1;
	s10 =	sld [smem:$0x3FB6];
	_ =	sdelay $0x3  }
0x34: {  	[smem:$0x3FB6] =	sst s10  }
0x35: {  	s10 =	sld [smem:$0x3FB5];
	_ =	sdelay $0x3  }
0x36: {  	p1 =	seq.s32 s10, $0x1;
	s10 =	sld [smem:$0x3FB6];
	_ =	sdelay $0x3  }
0x37: {  	[smem:$0x3FB6] =	sst s10  }
0x38: {  	s10 =	sld [smem:$0x3FB7]  }
0x39: {  	_ = 	snop;
	(pc) =	sbr.ind lr, $3  }
0x3a: {  	_ = 	snop  }
0x3b: {  	_ = 	snop  }
0x3c: {  	p2 =	seq.s32 s10, $0x1;
	s10 =	sld [smem:$0x3FB6]  }
0x3d: {  	_ =	shalt  }
0x3e: {  	_ =	shalt  }
0x3f: {  	_ =	shalt  }
0x40: {  	_ =	shalt  }
0x41: {  	_ =	shalt  }
0x42: {  	_ =	shalt  }
0x43: {  	_ =	shalt  }
0x44: {  	_ =	shalt  }
0x45: {  	_ =	shalt  }
0x46: {  	_ =	shalt  }
0x47: {  	_ =	shalt  }
0x48: {  	_ =	shalt  }
0x49: {  	_ =	shalt  }
0x4a: {  	_ =	shalt  }
0x4b: {  	_ =	shalt  }
0x4c: {  	_ =	shalt  }
0x4d: {  	_ =	shalt  }
0x4e: {  	_ =	shalt  }
0x4f: {  	_ =	shalt  }
0x50: {  	_ =	shalt  }
0x51: {  	_ =	shalt  }
0x52: {  	_ =	shalt  }
0x53: {  	_ =	shalt  }
0x54: {  	_ =	shalt  }
0x55: {  	_ =	shalt  }
0x56: {  	_ =	shalt  }
0x57: {  	_ =	shalt  }
0x58: {  	_ =	shalt  }
0x59: {  	_ =	shalt  }
0x5a: {  	_ =	shalt  }
0x5b: {  	_ =	shalt  }
0x5c: {  	_ =	shalt  }
0x5d: {  	_ =	shalt  }
0x5e: {  	_ =	shalt  }
0x5f: {  	_ =	shalt  }
0x60: {  	_ =	shalt  }
0x61: {  	_ =	shalt  }
0x62: {  	_ =	shalt  }
0x63: {  	_ =	shalt  }
0x64: {  	_ =	shalt  }
0x65: {  	_ =	shalt  }
0x66: {  	_ =	shalt  }
0x67: {  	_ =	shalt  }
0x68: {  	_ =	shalt  }
0x69: {  	_ =	shalt  }
0x6a: {  	_ =	shalt  }
0x6b: {  	_ =	shalt  }
0x6c: {  	_ =	shalt  }
0x6d: {  	_ =	shalt  }
0x6e: {  	_ =	shalt  }
0x6f: {  	_ =	shalt  }
0x70: {  	_ =	shalt  }
0x71: {  	_ =	shalt  }
0x72: {  	_ =	shalt  }
0x73: {  	_ =	shalt  }
0x74: {  	_ =	shalt  }
0x75: {  	_ =	shalt  }
0x76: {  	_ =	shalt  }
0x77: {  	_ =	shalt  }
0x78: {  	_ =	shalt  }
0x79: {  	_ =	shalt  }
0x7a: {  	_ =	shalt  }
0x7b: {  	_ =	shalt  }
0x7c: {  	_ =	shalt  }
0x7d: {  	_ =	shalt  }
0x7e: {  	_ =	shalt  }
0x7f: {  	_ =	shalt  }
0x80: {  	_ =	shalt  }
0x81: {  	_ =	shalt  }
0x82: {  	_ =	shalt  }
0x83: {  	_ =	shalt  }
0x84: {  	_ =	shalt  }
0x85: {  	_ =	shalt  }
0x86: {  	_ =	shalt  }
0x87: {  	_ =	shalt  }
.Lfunc_end0:
.L_simem_size_0:
called_computation_lowered:
.L_overlay_start_0:
0x88: {  	s2 =	sld [smem:$0x3FD9]  }
0x89: {  	s3 =	sld [smem:$0x3FFE];
	_ =	sdelay $0x1  }
0x8a: {  	s1 =	srdreg.scid  }
0x8b: {  	s0 =	sand.u32 $0x1, s1  }
0x8c: {  	s17 =	sshll.u32 s0, $0xA;
	s2 =	sadd.s32 s3, s2  }
0x8d: {  	s2 =	sadd.s32 s2, s17  }
0x8e: {  	[smem:$0x3FC2] =	sst s2  }
0x8f: {  	_ = 	snop  }
0x90: {  	s2 =	sld [smem:$0x3FC8];
	(tm) =	ssettm $0x1  }
0x91: {  	s18 =	sld [smem:$0x3FFB];
	_ =	sdelay $0x3  }
0x92: {  	_ =	strace s18  }
0x93: {  	s3 =	sld [smem:$0x3FFC];
	_ =	sdelay $0x3  }
0x94: {  	_ =	strace s3  }
0x95: {  	s3 =	sld [smem:$0x3FFD];
	_ =	sdelay $0x3  }
0x96: {  	_ =	strace s3  }
0x97: {  	_ =	strace $0x8FFFFFFF  }
0x98: {  	s19 =	sld [smem:$0x3FDB];
	_ =	sdelay $0x1  }
0x99: {  	s4 =	simm.s32 $_scs_section_size  }
0x9a: {  	s5 =	simm.s32 $_size__tile_overlayer_lowered;
	s6 =	simm.s32 $_tile_overlayer_lowered  }
0x9b: {  	s22 =	simm.s32 $0x1BFF;
	s21 =	sshll.u32 s6, $0x1;
	s3 =	sadd.s32 s4, s19  }
0x9c: {  	s7 =	simm.s32 $0x0;
	s20 =	sshll.u32 s5, $0x1;
	s5 =	sadd.s32 s21, s3  }
0x9d: {  	[timem:s7], [sflag:s22] =	dma.local [hbm:s5], s20  }
0x9e: {  	_ =	swait.ge [sflag:s22], s20  }
0x9f: {  	s4 =	ssub.s32 $0x0, s20;
	[sflag:s22] =	ssyncset.done $0x0  }
0xa0: {  	[sflag:s22] =	ssyncadd.s32 s4;
	_ =	sdelay $0x1  }
0xa1: {  	s23 =	simm.s32 $0x1B8B  }
0xa2: {  	_ =	swait.ge [sflag:s23], $0x1  }
0xa3: {  	[sflag:s23] =	ssyncset.done $0x0  }
0xa4: {  	s25 =	simm.s32 $0x1B8E;
	s24 =	sld [smem:$0x3FFE];
	[sflag:s23] =	ssyncadd.s32 $0xFFFFFFFF  }
0xa5: {  	s26 =	simm.s32 $execute0_lowered;
	[smem:$0x3FD2] =	sst s25  }
0xa6: {  	s5 =	sshll.u32 s26, $0x1;
	_ =	strace $0x80000046;
	[dreg:$0x1] =	wrdreg $0xFFFFFFFF  }
0xa7: {  	s28 =	simm.s32 $_size_execute0_lowered;
	s3 =	sadd.s32 s3, s5;
	[dreg:$0x0] =	wrdreg $0x0  }
0xa8: {  	s5 =	sshll.u32 s28, $0x1;
	[dreg:$0x2] =	wrdreg s3  }
0xa9: {  	[dreg:$0x3] =	wrdreg s5  }
0xaa: {  	[dreg:$0x4] =	wrdreg $0xC0  }
0xab: {  	_ =	task [dreg:s7], $0x5FFFF  }
0xac: {  	[dreg:$0x1] =	wrdreg $0xFFFFFFFF  }
0xad: {  	[dreg:$0x0] =	wrdreg $0x60  }
0xae: {  	[dreg:$0x2] =	wrdreg s2  }
0xaf: {  	[dreg:$0x3] =	wrdreg s24  }
0xb0: {  	[dreg:$0x4] =	wrdreg $0x86800  }
0xb1: {  	[dreg:$0x5] =	wrdreg $0x9  }
0xb2: {  	_ =	task.clear_ibuf [dreg:s7], $0x6FFFF;
	_ =	strace $0x90000046  }
0xb3: {  	s29 =	simm.s32 $0x9;
	_ =	strace $0x80000048  }
0xb4: {  	_ =	swait.ge [sflag:s29], $0x1  }
0xb5: {  	[sflag:s29] =	ssyncadd.s32 $0xFFFFFFFF  }
0xb6: {  	_ =	strace $0x90000048  }
0xb7: {  	_ =	sfence  }
0xb8: {  	s30 =	sld [smem:$0x0];
	_ =	sdelay $0x2  }
0xb9: {  	s31 =	sshll.u32 s1, $0xD;
	s1 =	sshrl.u32 s1, $0x2  }
0xba: {  	s3 =	sand.u32 $0x4000, s31;
	s1 =	sadd.s32 s1, s30  }
0xbb: {  	s0 =	sor.u32 s3, s0;
	s1 =	sshll.u32 s1, $0x11  }
0xbc: {  	s0 =	sor.u32 s1, s0  }
0xbd: {  	s0 =	sadd.s32 $0x8F2B, s0  }
0xbe: {  	[sflag:s0] =	ssyncadd.remote.s32 $0x1  }
0xbf: {  	_ =	sfence.sel $0xFFFF  }
0xc0: {  	[dreg:$0x0] =	wrdreg $0xFFFFFFFF;
	(pc) =	sbr.abs _section_cstart, $3  }
0xc1: {  	[dreg:$0x1] =	wrdreg $0xFFFFFFFF  }
0xc2: {  	_ =	task.clear_ibuf [dreg:s7], $0x2FFFF;
	_ =	strace $0x9FFFFFFF  }
0xc3: {  	(tm) =	ssettm $0x7FFFFFFF  }
tec
execute0_lowered:
.L_overlay_start_1:
0x0: {  	(tag) =	ssettag $0x1  }
0x1: {  	s5 =	rddreg [dreg:$0x0]  }
0x2: {  	s6 =	rddreg [dreg:$0x1]  }
0x3: {  	s2 =	rddreg [dreg:$0x2]  }
0x4: {  	s1 =	stileid.u32;
	s0 =	rddreg [dreg:$0x3];
	s3 =	simm.s32 $0x0  }
0x5: {  	s7 =	srdreg.scid;
	s14 =	simm.s32 $0x200;
	s15 =	simm.s32 $0x400  }
0x6: {  	s16 =	simm.s32 $0x280;
	s17 =	simm.s32 $0x4400;
	s18 =	simm.s32 $0x1  }
0x7: {  	s19 =	simm.s32 $0x300;
	s20 =	simm.s32 $0x380;
	s21 =	simm.s32 $0x8480  }
0x8: {  	s22 =	simm.s32 $0x0;
	s4 =	smul.u32 $0x500, s1;
	[smem:$0x7FF] =	sst s3  }
0x9: {  	s7 =	sand.u32 $0x1, s7;
	s9 =	sshll.u32 s1, $0x7;
	s11 =	smul.u32 $0xA000, s1  }
0xa: {  	s31 =	sshll.u32 s1, $0x6;
	_ =	strace $0x80000047;
	s10 =	sshll.u32 s7, $0x6  }
0xb: {  	s7 =	ssub.s32 $0x2, s7;
	s8 =	sadd.s32 s4, s6;
	s4 =	sadd.s32 $0x6000, s6  }
0xc: {  	s9 =	sor.u32 s10, s9;
	s30 =	sshrl.u32 s7, $0x1;
	s11 =	sshrl.u32 s11, $0x2  }
0xd: {  	s10 =	sadd.s32 s9, s6;
	s12 =	ssub.s32 s7, s30;
	s5 =	sadd.s32 s5, s9  }
0xe: {  	s13 =	sadd.s32 s11, s2;
	s6 =	sadd.s32 $0x1000, s8;
	s9 =	simm.s32 $0x2  }
0xf: {  	v0 =	vlaneseq.u32;
	s11 =	sor.u32 $0x1C02, s31;
	s7 =	sadd.s32 $0x6200, s10;
	s8 =	smax.u32 s12, $0x1  }
0x10: {  	v0 =	vmul.u32 $0x80, v0;
	s10 =	simm.s32 $0x8400;
	s12 =	sshrl.u32 s13, $0x3;
	s13 =	simm.s32 $0x80  }
.LBB2_1:
0x11: {  	[tilespmem:s3], [sflag:$0x2] =	stream.linear.gather [hbm4b:s5+s3], $0x200, $0x38;
	[tilespmem:$0xAE80] =	vst v63  }
0x12: {  	_ =	swait.ge [sflag:s9], $0x200  }
0x13: {  	[sflag:s9] =	ssyncset.done $0x0  }
0x14: {  	[sflag:s9] =	ssyncadd.s32 $0xFFFFFE00  }
0x15: {  	[tilespmem:s10], [sflag:$0x2] =	stream.linear.gather [hbm4b:s4+s3], $0x80, $0x38;
	[tilespmem:$0xAE80] =	vst v63  }
0x16: {  	_ =	swait.ge [sflag:s9], $0x80  }
0x17: {  	[sflag:s9] =	ssyncset.done $0x0  }
0x18: {  	[sflag:s9] =	ssyncadd.s32 $0xFFFFFF80  }
0x19: {  	[spmem:s12], [sflag:s11] =	dma.local [hbm:s6], $0x500  }
0x1a: {  	_ =	swait.ge [sflag:s9], $0x500  }
0x1b: {  	[sflag:s9] =	ssyncset.done $0x0  }
0x1c: {  	s23 =	simm.s32 $0x0;
	[sflag:s9] =	ssyncadd.s32 $0xFFFFFB00  }
0x1d: {  	s24 =	simm.s32 $0x40;
	v1 =	vld [tilespmem:s23+$0x0]  }
.LBB2_2:
0x1e: {  	p0 =	sne.s32 s24, $0x7C0  }
.Ltmp0:
0x1f: {  	_ = 	snop;
	(pc) =	sbr.rel @p0 .LBB2_2-.Ltmp0, $3  }
0x20: {  	_ =	sdelay $0x1  }
0x21: {  	s25 =	sshra.s32 s24, $0x2;
	s24 =	sadd.s32 $0x40, s24;
	v2 =	vshrl.u32 v1, $0x7  }
0x22: {  	v1 =	vld [tilespmem:s25+$0x0];
	[tilespmem:s23+$0x200] =	vst v2;
	s23 =	smov.u32 s25  }
0x23: {  	_ =	sdelay $0x3  }
0x24: {  	v1 =	vshrl.u32 v1, $0x7  }
0x25: {  	[tilespmem:s23+$0x200] =	vst v1  }
0x26: {  	[bflag:$0x0] =	sbarrier.arrive $0xFFFF  }
0x27: {  	[tilespmem:s15], [sflag:$0x1] =	stream.indirect.gather [spmem:s2], $0x80, s14, s13, $0xb8;
	[tilespmem:$0xAE80] =	vst v63  }
0x28: {  	_ = 	snop  }
0x29: {  	[tilespmem:s17], [sflag:$0x1] =	stream.indirect.gather [spmem:s2], $0x80, s16, s13, $0xb8;
	[tilespmem:$0xAE80] =	vst v63  }
0x2a: {  	_ =	swait.ge [sflag:s18], $0x4000  }
0x2b: {  	[sflag:s18] =	ssyncset.done $0x0  }
0x2c: {  	s31 =	simm.s32 $0x0;
	[sflag:s18] =	ssyncadd.s32 $0xFFFFC000  }
0x2d: {  	v1 =	vld [tilespmem:s31+$0x0];
	_ =	sdelay $0x2  }
0x2e: {  	v2 =	vmov s31  }
0x2f: {  	v2 =	vshll.u32 v2, $0x7  }
0x30: {  	v2 =	vor.u32 v0, v2;
	v1 =	vand.u32 $0x7F, v1  }
0x31: {  	v1 =	vor.u32 v2, v1;
	_ =	sdelay $0x3  }
0x32: {  	v2 =	vld.msk [tilespmem:$0x8400 ss:$0x0], $0xffff  }
0x33: {  	v1 =	vld.idx.msk [tilespmem:v1+s15+$0x0], $0xffff;
	_ =	sdelay $0x4  }
0x34: {  	v1 =	vadd.f32 v2, v1  }
0x35: {  	s23 =	simm.s32 $0x8480  }
0x36: {  	s24 =	simm.s32 $0x10;
	[tilespmem:s23+$0x0] =	vst v1  }
0x37: {  	s25 =	simm.s32 $0x20;
	s26 =	simm.s32 $0x10;
	v1 =	vld [tilespmem:s24+$0x0]  }
.LBB2_4:
0x38: {  	p0 =	sne.s32 s25, $0x70;
	_ =	sdelay $0x1  }
0x39: {  	v2 =	vmov s24;
	s24 =	smov.u32 s25  }
0x3a: {  	v2 =	vshll.u32 v2, $0x7  }
0x3b: {  	v2 =	vor.u32 v0, v2;
	v1 =	vand.u32 $0x7F, v1  }
0x3c: {  	v1 =	vor.u32 v2, v1;
	_ =	sdelay $0x3  }
0x3d: {  	v2 =	vld.msk [tilespmem:$0x8400 ss:$0x0], $0xffff  }
0x3e: {  	v1 =	vld.idx.msk [tilespmem:v1+s15+$0x0], $0xffff;
	_ =	sdelay $0x4  }
.Ltmp1:
0x3f: {  	(pc) =	sbr.rel @p0 .LBB2_4-.Ltmp1, $4  }
0x40: {  	v1 =	vadd.f32 v2, v1  }
0x41: {  	s23 =	sadd.s32 $0x10, s23  }
0x42: {  	s26 =	sadd.s32 $0x10, s26;
	[tilespmem:s23+$0x0] =	vst v1  }
0x43: {  	s25 =	sadd.s32 $0x10, s25;
	v1 =	vld [tilespmem:s26+$0x0]  }
0x44: {  	_ =	sdelay $0x1  }
0x45: {  	v2 =	vmov s24  }
0x46: {  	v2 =	vshll.u32 v2, $0x7  }
0x47: {  	v2 =	vor.u32 v0, v2;
	v1 =	vand.u32 $0x7F, v1  }
0x48: {  	v1 =	vor.u32 v2, v1;
	_ =	sdelay $0x3  }
0x49: {  	v2 =	vld.msk [tilespmem:$0x8400 ss:$0x0], $0xffff  }
0x4a: {  	v1 =	vld.idx.msk [tilespmem:v1+s15+$0x0], $0xffff;
	_ =	sdelay $0x4  }
0x4b: {  	v1 =	vadd.f32 v2, v1  }
0x4c: {  	s23 =	sadd.s32 $0x10, s23  }
0x4d: {  	s30 =	simm.s32 $0x80;
	[tilespmem:s23+$0x0] =	vst v1  }
0x4e: {  	[tilespmem:s15], [sflag:$0x1] =	stream.indirect.gather [spmem:s2], $0x80, s19, s30, $0xb8;
	[tilespmem:$0xAE80] =	vst v63  }
0x4f: {  	_ =	swait.ge [sflag:s18], $0x4000  }
0x50: {  	[sflag:s18] =	ssyncset.done $0x0  }
0x51: {  	[sflag:s18] =	ssyncadd.s32 $0xFFFFC000  }
0x52: {  	v1 =	vld [tilespmem:s30+$0x0];
	_ =	sdelay $0x1  }
0x53: {  	s31 =	simm.s32 $0x0  }
0x54: {  	v2 =	vmov s31  }
0x55: {  	v2 =	vshll.u32 v2, $0x7  }
0x56: {  	v2 =	vor.u32 v0, v2;
	v1 =	vand.u32 $0x7F, v1  }
0x57: {  	v1 =	vor.u32 v2, v1;
	_ =	sdelay $0x3  }
0x58: {  	v2 =	vld.msk [tilespmem:$0x8400 ss:$0x0], $0xffff  }
0x59: {  	v1 =	vld.idx.msk [tilespmem:v1+s17+$0x0], $0xffff;
	_ =	sdelay $0x4  }
0x5a: {  	v1 =	vadd.f32 v2, v1  }
0x5b: {  	s23 =	simm.s32 $0x8500  }
0x5c: {  	s24 =	simm.s32 $0x90;
	[tilespmem:s23+$0x0] =	vst v1  }
0x5d: {  	s25 =	simm.s32 $0x10;
	s26 =	simm.s32 $0x20;
	v1 =	vld [tilespmem:s24+$0x0]  }
.LBB2_6:
0x5e: {  	p0 =	sne.s32 s26, $0x70;
	_ =	sdelay $0x1  }
0x5f: {  	v2 =	vmov s25;
	s25 =	smov.u32 s26  }
0x60: {  	v2 =	vshll.u32 v2, $0x7  }
0x61: {  	v2 =	vor.u32 v0, v2;
	v1 =	vand.u32 $0x7F, v1  }
0x62: {  	v1 =	vor.u32 v2, v1;
	_ =	sdelay $0x3  }
0x63: {  	v2 =	vld.msk [tilespmem:$0x8400 ss:$0x0], $0xffff  }
0x64: {  	v1 =	vld.idx.msk [tilespmem:v1+s17+$0x0], $0xffff;
	_ =	sdelay $0x4  }
.Ltmp2:
0x65: {  	(pc) =	sbr.rel @p0 .LBB2_6-.Ltmp2, $4  }
0x66: {  	v1 =	vadd.f32 v2, v1  }
0x67: {  	s23 =	sadd.s32 $0x10, s23  }
0x68: {  	s24 =	sadd.s32 $0x10, s24;
	[tilespmem:s23+$0x0] =	vst v1  }
0x69: {  	s26 =	sadd.s32 $0x10, s26;
	v1 =	vld [tilespmem:s24+$0x0]  }
0x6a: {  	_ =	sdelay $0x1  }
0x6b: {  	v2 =	vmov s25  }
0x6c: {  	v2 =	vshll.u32 v2, $0x7  }
0x6d: {  	v2 =	vor.u32 v0, v2;
	v1 =	vand.u32 $0x7F, v1  }
0x6e: {  	v1 =	vor.u32 v2, v1;
	_ =	sdelay $0x3  }
0x6f: {  	v2 =	vld.msk [tilespmem:$0x8400 ss:$0x0], $0xffff  }
0x70: {  	v1 =	vld.idx.msk [tilespmem:v1+s17+$0x0], $0xffff;
	_ =	sdelay $0x4  }
0x71: {  	v1 =	vadd.f32 v2, v1  }
0x72: {  	s23 =	sadd.s32 $0x10, s23  }
0x73: {  	[tilespmem:s23+$0x0] =	vst v1  }
0x74: {  	[tilespmem:s17], [sflag:$0x1] =	stream.indirect.gather [spmem:s2], $0x80, s20, s13, $0xb8;
	[tilespmem:$0xAE80] =	vst v63  }
0x75: {  	_ =	swait.ge [sflag:s18], $0x4000  }
0x76: {  	[sflag:s18] =	ssyncset.done $0x0  }
0x77: {  	s30 =	simm.s32 $0x100;
	[sflag:s18] =	ssyncadd.s32 $0xFFFFC000  }
0x78: {  	v1 =	vld [tilespmem:s30+$0x0];
	_ =	sdelay $0x1  }
0x79: {  	s31 =	simm.s32 $0x0  }
0x7a: {  	v2 =	vmov s31  }
0x7b: {  	v2 =	vshll.u32 v2, $0x7  }
0x7c: {  	v2 =	vor.u32 v0, v2;
	v1 =	vand.u32 $0x7F, v1  }
0x7d: {  	v1 =	vor.u32 v2, v1;
	_ =	sdelay $0x3  }
0x7e: {  	v2 =	vld.msk [tilespmem:$0x8400 ss:$0x0], $0xffff  }
0x7f: {  	v1 =	vld.idx.msk [tilespmem:v1+s15+$0x0], $0xffff;
	_ =	sdelay $0x4  }
0x80: {  	v1 =	vadd.f32 v2, v1  }
0x81: {  	s23 =	simm.s32 $0x8580  }
0x82: {  	s24 =	simm.s32 $0x110;
	[tilespmem:s23+$0x0] =	vst v1  }
0x83: {  	s25 =	simm.s32 $0x10;
	s26 =	simm.s32 $0x20;
	v1 =	vld [tilespmem:s24+$0x0]  }
.LBB2_8:
0x84: {  	p0 =	sne.s32 s26, $0x70;
	_ =	sdelay $0x1  }
0x85: {  	v2 =	vmov s25;
	s25 =	smov.u32 s26  }
0x86: {  	v2 =	vshll.u32 v2, $0x7  }
0x87: {  	v2 =	vor.u32 v0, v2;
	v1 =	vand.u32 $0x7F, v1  }
0x88: {  	v1 =	vor.u32 v2, v1;
	_ =	sdelay $0x3  }
0x89: {  	v2 =	vld.msk [tilespmem:$0x8400 ss:$0x0], $0xffff  }
0x8a: {  	v1 =	vld.idx.msk [tilespmem:v1+s15+$0x0], $0xffff;
	_ =	sdelay $0x4  }
.Ltmp3:
0x8b: {  	(pc) =	sbr.rel @p0 .LBB2_8-.Ltmp3, $4  }
0x8c: {  	v1 =	vadd.f32 v2, v1  }
0x8d: {  	s23 =	sadd.s32 $0x10, s23  }
0x8e: {  	s24 =	sadd.s32 $0x10, s24;
	[tilespmem:s23+$0x0] =	vst v1  }
0x8f: {  	s26 =	sadd.s32 $0x10, s26;
	v1 =	vld [tilespmem:s24+$0x0]  }
0x90: {  	_ =	sdelay $0x1  }
0x91: {  	v2 =	vmov s25  }
0x92: {  	v2 =	vshll.u32 v2, $0x7  }
0x93: {  	v2 =	vor.u32 v0, v2;
	v1 =	vand.u32 $0x7F, v1  }
0x94: {  	v1 =	vor.u32 v2, v1;
	_ =	sdelay $0x3  }
0x95: {  	v2 =	vld.msk [tilespmem:$0x8400 ss:$0x0], $0xffff  }
0x96: {  	v1 =	vld.idx.msk [tilespmem:v1+s15+$0x0], $0xffff;
	_ =	sdelay $0x4  }
0x97: {  	v1 =	vadd.f32 v2, v1  }
0x98: {  	s23 =	sadd.s32 $0x10, s23  }
0x99: {  	[tilespmem:s23+$0x0] =	vst v1  }
0x9a: {  	_ =	swait.ge [sflag:s18], $0x4000  }
0x9b: {  	[sflag:s18] =	ssyncset.done $0x0  }
0x9c: {  	s30 =	simm.s32 $0x180;
	[sflag:s18] =	ssyncadd.s32 $0xFFFFC000  }
0x9d: {  	v1 =	vld [tilespmem:s30+$0x0];
	_ =	sdelay $0x1  }
0x9e: {  	s31 =	simm.s32 $0x0  }
0x9f: {  	v2 =	vmov s31  }
0xa0: {  	v2 =	vshll.u32 v2, $0x7  }
0xa1: {  	v2 =	vor.u32 v0, v2;
	v1 =	vand.u32 $0x7F, v1  }
0xa2: {  	v1 =	vor.u32 v2, v1;
	_ =	sdelay $0x3  }
0xa3: {  	v2 =	vld.msk [tilespmem:$0x8400 ss:$0x0], $0xffff  }
0xa4: {  	v1 =	vld.idx.msk [tilespmem:v1+s17+$0x0], $0xffff;
	_ =	sdelay $0x4  }
0xa5: {  	v1 =	vadd.f32 v2, v1  }
0xa6: {  	s23 =	simm.s32 $0x8600  }
0xa7: {  	s24 =	simm.s32 $0x190;
	[tilespmem:s23+$0x0] =	vst v1  }
0xa8: {  	s25 =	simm.s32 $0x10;
	s26 =	simm.s32 $0x20;
	v1 =	vld [tilespmem:s24+$0x0]  }
.LBB2_10:
0xa9: {  	p0 =	sne.s32 s26, $0x70;
	_ =	sdelay $0x1  }
0xaa: {  	v2 =	vmov s25;
	s25 =	smov.u32 s26  }
0xab: {  	v2 =	vshll.u32 v2, $0x7  }
0xac: {  	v2 =	vor.u32 v0, v2;
	v1 =	vand.u32 $0x7F, v1  }
0xad: {  	v1 =	vor.u32 v2, v1;
	_ =	sdelay $0x3  }
0xae: {  	v2 =	vld.msk [tilespmem:$0x8400 ss:$0x0], $0xffff  }
0xaf: {  	v1 =	vld.idx.msk [tilespmem:v1+s17+$0x0], $0xffff;
	_ =	sdelay $0x4  }
.Ltmp4:
0xb0: {  	(pc) =	sbr.rel @p0 .LBB2_10-.Ltmp4, $4  }
0xb1: {  	v1 =	vadd.f32 v2, v1  }
0xb2: {  	s23 =	sadd.s32 $0x10, s23  }
0xb3: {  	s24 =	sadd.s32 $0x10, s24;
	[tilespmem:s23+$0x0] =	vst v1  }
0xb4: {  	s26 =	sadd.s32 $0x10, s26;
	v1 =	vld [tilespmem:s24+$0x0]  }
0xb5: {  	_ =	sdelay $0x1  }
0xb6: {  	v2 =	vmov s25  }
0xb7: {  	v2 =	vshll.u32 v2, $0x7  }
0xb8: {  	v2 =	vor.u32 v0, v2;
	v1 =	vand.u32 $0x7F, v1  }
0xb9: {  	v1 =	vor.u32 v2, v1;
	_ =	sdelay $0x3  }
0xba: {  	v2 =	vld.msk [tilespmem:$0x8400 ss:$0x0], $0xffff  }
0xbb: {  	v1 =	vld.idx.msk [tilespmem:v1+s17+$0x0], $0xffff;
	_ =	sdelay $0x4  }
0xbc: {  	s22 =	sadd.s32 $0x1, s22;
	v1 =	vadd.f32 v2, v1  }
0xbd: {  	s23 =	sadd.s32 $0x10, s23;
	p0 =	sne.s32 s22, s8  }
.Ltmp5:
0xbe: {  	[tilespmem:s23+$0x0] =	vst v1;
	(pc) =	sbr.rel @p0 .LBB2_1-.Ltmp5, $4  }
0xbf: {  	[hbm4b:s7+s3] =	stream.linear.scatter [tilespmem:s21], [sflag:$0x2], $0x200, $0x38;
	[tilespmem:$0xAE80] =	vst v63  }
0xc0: {  	_ =	swait.ge [sflag:s9], $0x200  }
0xc1: {  	[sflag:s9] =	ssyncset.done $0x0  }
0xc2: {  	[sflag:s9] =	ssyncadd.s32 $0xFFFFFE00  }
0xc3: {  	_ =	sfence.sel $0x180000  }
0xc4: {  	[bflag:$0x0] =	sbarrier.arrive $0xFFFF  }
0xc5: {  	p0 =	sne.s32 s1, $0x0;
	_ =	strace $0x90000047  }
0xc6: {  	s0 =	sadd.s32 @!p0 $0x100000, s0;
	[bflag:$0x2] =	sbarrier.arrive $0xFFFF  }
0xc7: {  	[sflag:s0] =	ssyncadd.tile.s32 @!p0 $0x1;
	_ =	shalt  }
.Lfunc_end2:
_tile_overlayer_lowered:
.L_overlay_start_2:
0xc8: {  	(tag) =	ssettag $0x2  }
0xc9: {  	s0 =	rddreg [dreg:$0x0];
	s2 =	stileid.u32  }
0xca: {  	s1 =	rddreg [dreg:$0x1];
	p0 =	sne.s32 s2, $0x0  }
0xcb: {  	s3 =	rddreg [dreg:$0x2];
	[bflag:$0x3] =	sbarrier.arrive $0xFFFF;
	s2 =	simm.s32 @!p0 $0x1C02  }
0xcc: {  	[timem:s3], [sflag:s2] =	dma.local @!p0 [hbm:s0], s1  }
0xcd: {  	s0 =	simm.s32 @!p0 $0x2  }
0xce: {  	_ =	swait.ge @!p0 [sflag:s0], s1  }
0xcf: {  	s1 =	ssub.s32 @!p0 $0x0, s1;
	[sflag:s0] =	ssyncset.done @!p0 $0x0  }
0xd0: {  	[sflag:s0] =	ssyncadd.s32 @!p0 s1  }
0xd1: {  	[bflag:$0x3] =	sbarrier.arrive $0xFFFF  }
0xd2: {  	_ =	shalt  }

// kernel: kernel.9.cloned.1.call-start
scs
__scs_entry_jumppad:
0x0: {  	(pc) =	sbr.rel $0x88, $3  }
0x1: {  	(tag) =	ssettag $0x0;
	lr =	simm.s32 $0x1  }
0x2: {  	[smem:$0x3F9B] =	sst lr;
	_ =	strace $0xD0000000  }
0x3: {  	_ = 	snop  }
0x4: {  	_ = 	snop  }
0x5: {  	_ = 	snop  }
0x6: {  	_ = 	snop  }
0x7: {  	_ = 	snop  }
__scs_overlays_trampoline_lowered:
0x8: {  	[smem:$0x3FAA] =	sst s0  }
0x9: {  	[smem:$0x3FAB] =	sst s1  }
0xa: {  	[smem:$0x3FAC] =	sst s2  }
0xb: {  	[smem:$0x3FAD] =	sst s3  }
0xc: {  	[smem:$0x3FAE] =	sst s4  }
0xd: {  	[smem:$0x3FAF] =	sst s5  }
0xe: {  	[smem:$0x3FB0] =	sst s6  }
0xf: {  	[smem:$0x3FB1] =	sst s7  }
0x10: {  	[smem:$0x3FB2] =	sst s8  }
0x11: {  	[smem:$0x3FB3] =	sst s9;
	s0 =	simm.s32 @!p0 $0x0  }
0x12: {  	s1 =	sld [smem:$0x3F99];
	s0 =	simm.s32 @p0 $0x1  }
0x13: {  	[smem:$0x3FB4] =	sst s0;
	s0 =	simm.s32 @!p1 $0x0  }
0x14: {  	s2 =	sld [smem:$0x3F98];
	s0 =	simm.s32 @p1 $0x1  }
0x15: {  	[smem:$0x3FB5] =	sst s0;
	s0 =	simm.s32 @!p2 $0x0  }
0x16: {  	s3 =	sld [smem:$0x3FDB];
	s0 =	simm.s32 @p2 $0x1  }
0x17: {  	s4 =	simm.s32 $0x1BF5;
	[smem:$0x3FB7] =	sst s0  }
0x18: {  	s0 =	sld [smem:$0x3F9A];
	_ =	swait.ge [sflag:s4], $0x0  }
0x19: {  	s7 =	sld [smem:$0x3F9B]  }
0x1a: {  	s8 =	sadd.s32 $0xFFFFE003, lr  }
0x1b: {  	s9 =	sadd.s32 $0xFFFFFEF7, lr;
	s5 =	simm.s32 $0xFFFFFFFF;
	p2 =	slt.u32 s8, $0xFFFFF086  }
0x1c: {  	p1 =	slt.u32 s9, $0xF7A;
	s5 =	simm.s32 @!p2 $0x0  }
0x1d: {  	s5 =	simm.s32 @p1 $0x1;
	p0 =	seq.s32 s7, s2  }
0x1e: {  	s7 =	smul.u32 @!p0 $0xF7A, s2;
	p2 =	seq.s32 @!p0 s5, $0x0  }
0x1f: {  	s9 =	smul.u32 $0xF7A, s1;
	s8 =	simm.s32 @!p0 $0x1BF5;
	p2 =	por !p2, p0  }
0x20: {  	[sflag:s8] =	ssyncset.s32 @!p0 $0xFFFFF086;
	s6 =	sadd.s32 @!p0 s3, s7;
	s7 =	simm.s32 @!p0 $0x108  }
0x21: {  	s3 =	sadd.s32 s3, s9;
	s6 =	sadd.s32 @!p0 $0x88, s6;
	s7 =	simm.s32 @p2 $0x1082  }
0x22: {  	[simem:s7], [sflag:s8] =	dma.local @!p0 [hbm:s6], $0xF7A  }
0x23: {  	s9 =	sor.u32 $0xD0000000, s2;
	s6 =	simm.s32 $0x108;
	_ =	swait.ge @!p0 [sflag:s8], $0x0  }
0x24: {  	s3 =	sadd.s32 $0x88, s3;
	s6 =	simm.s32 @!p1 $0x1082;
	[sflag:s4] =	ssyncset.s32 $0xFFFFF086  }
0x25: {  	[simem:s6], [sflag:s4] =	dma.local [hbm:s3], $0xF7A  }
0x26: {  	[smem:$0x3F9B] =	sst s1;
	(tag) =	ssettag s2;
	_ =	strace s9  }
0x27: {  	s1 =	sld [smem:$0x3FAB]  }
0x28: {  	s2 =	sld [smem:$0x3FAC]  }
0x29: {  	s4 =	sld [smem:$0x3FAE]  }
0x2a: {  	p0 =	seq.s32 s5, $0x0;
	s5 =	sld [smem:$0x3FAF]  }
0x2b: {  	s6 =	sld [smem:$0x3FB0]  }
0x2c: {  	s7 =	sld [smem:$0x3FB1]  }
0x2d: {  	s3 =	simm.s32 $0x108;
	s8 =	sld [smem:$0x3FB2]  }
0x2e: {  	s3 =	simm.s32 @!p0 $0x1082;
	s9 =	sld [smem:$0x3FB3]  }
0x2f: {  	lr =	sadd.s32 s0, s3;
	s0 =	sld [smem:$0x3FAA]  }
0x30: {  	s3 =	sld [smem:$0x3FAD]  }
0x31: {  	[smem:$0x3FB6] =	sst s10  }
0x32: {  	s10 =	sld [smem:$0x3FB4];
	_ =	sdelay $0x3  }
0x33: {  	p0 =	seq.s32 s10, $0x1;
	s10 =	sld [smem:$0x3FB6];
	_ =	sdelay $0x3  }
0x34: {  	[smem:$0x3FB6] =	sst s10  }
0x35: {  	s10 =	sld [smem:$0x3FB5];
	_ =	sdelay $0x3  }
0x36: {  	p1 =	seq.s32 s10, $0x1;
	s10 =	sld [smem:$0x3FB6];
	_ =	sdelay $0x3  }
0x37: {  	[smem:$0x3FB6] =	sst s10  }
0x38: {  	s10 =	sld [smem:$0x3FB7]  }
0x39: {  	_ = 	snop;
	(pc) =	sbr.ind lr, $3  }
0x3a: {  	_ = 	snop  }
0x3b: {  	_ = 	snop  }
0x3c: {  	p2 =	seq.s32 s10, $0x1;
	s10 =	sld [smem:$0x3FB6]  }
0x3d: {  	_ =	shalt  }
0x3e: {  	_ =	shalt  }
0x3f: {  	_ =	shalt  }
0x40: {  	_ =	shalt  }
0x41: {  	_ =	shalt  }
0x42: {  	_ =	shalt  }
0x43: {  	_ =	shalt  }
0x44: {  	_ =	shalt  }
0x45: {  	_ =	shalt  }
0x46: {  	_ =	shalt  }
0x47: {  	_ =	shalt  }
0x48: {  	_ =	shalt  }
0x49: {  	_ =	shalt  }
0x4a: {  	_ =	shalt  }
0x4b: {  	_ =	shalt  }
0x4c: {  	_ =	shalt  }
0x4d: {  	_ =	shalt  }
0x4e: {  	_ =	shalt  }
0x4f: {  	_ =	shalt  }
0x50: {  	_ =	shalt  }
0x51: {  	_ =	shalt  }
0x52: {  	_ =	shalt  }
0x53: {  	_ =	shalt  }
0x54: {  	_ =	shalt  }
0x55: {  	_ =	shalt  }
0x56: {  	_ =	shalt  }
0x57: {  	_ =	shalt  }
0x58: {  	_ =	shalt  }
0x59: {  	_ =	shalt  }
0x5a: {  	_ =	shalt  }
0x5b: {  	_ =	shalt  }
0x5c: {  	_ =	shalt  }
0x5d: {  	_ =	shalt  }
0x5e: {  	_ =	shalt  }
0x5f: {  	_ =	shalt  }
0x60: {  	_ =	shalt  }
0x61: {  	_ =	shalt  }
0x62: {  	_ =	shalt  }
0x63: {  	_ =	shalt  }
0x64: {  	_ =	shalt  }
0x65: {  	_ =	shalt  }
0x66: {  	_ =	shalt  }
0x67: {  	_ =	shalt  }
0x68: {  	_ =	shalt  }
0x69: {  	_ =	shalt  }
0x6a: {  	_ =	shalt  }
0x6b: {  	_ =	shalt  }
0x6c: {  	_ =	shalt  }
0x6d: {  	_ =	shalt  }
0x6e: {  	_ =	shalt  }
0x6f: {  	_ =	shalt  }
0x70: {  	_ =	shalt  }
0x71: {  	_ =	shalt  }
0x72: {  	_ =	shalt  }
0x73: {  	_ =	shalt  }
0x74: {  	_ =	shalt  }
0x75: {  	_ =	shalt  }
0x76: {  	_ =	shalt  }
0x77: {  	_ =	shalt  }
0x78: {  	_ =	shalt  }
0x79: {  	_ =	shalt  }
0x7a: {  	_ =	shalt  }
0x7b: {  	_ =	shalt  }
0x7c: {  	_ =	shalt  }
0x7d: {  	_ =	shalt  }
0x7e: {  	_ =	shalt  }
0x7f: {  	_ =	shalt  }
0x80: {  	_ =	shalt  }
0x81: {  	_ =	shalt  }
0x82: {  	_ =	shalt  }
0x83: {  	_ =	shalt  }
0x84: {  	_ =	shalt  }
0x85: {  	_ =	shalt  }
0x86: {  	_ =	shalt  }
0x87: {  	_ =	shalt  }
.Lfunc_end0:
.L_simem_size_0:
called_computation.1_lowered:
.L_overlay_start_0:
0x88: {  	s2 =	sld [smem:$0x3FD9]  }
0x89: {  	s3 =	sld [smem:$0x3FFE];
	_ =	sdelay $0x1  }
0x8a: {  	s1 =	srdreg.scid  }
0x8b: {  	s0 =	sand.u32 $0x1, s1  }
0x8c: {  	s17 =	sshll.u32 s0, $0xA;
	s2 =	sadd.s32 s3, s2  }
0x8d: {  	s2 =	sadd.s32 s2, s17  }
0x8e: {  	[smem:$0x3FC2] =	sst s2  }
0x8f: {  	_ = 	snop  }
0x90: {  	s2 =	sld [smem:$0x3FC9]  }
0x91: {  	s18 =	sld [smem:$0x3FD0];
	(tm) =	ssettm $0x1  }
0x92: {  	s4 =	sld [smem:$0x3FFB];
	_ =	sdelay $0x3  }
0x93: {  	_ =	strace s4  }
0x94: {  	s4 =	sld [smem:$0x3FFC];
	_ =	sdelay $0x3  }
0x95: {  	_ =	strace s4  }
0x96: {  	s4 =	sld [smem:$0x3FFD];
	_ =	sdelay $0x3  }
0x97: {  	_ =	strace s4  }
0x98: {  	_ =	strace $0x8FFFFFFF  }
0x99: {  	s19 =	sld [smem:$0x3FDB];
	_ =	sdelay $0x1  }
0x9a: {  	s5 =	simm.s32 $_scs_section_size  }
0x9b: {  	s6 =	simm.s32 $_size__tile_overlayer_lowered;
	s7 =	simm.s32 $_tile_overlayer_lowered  }
0x9c: {  	s22 =	simm.s32 $0x1BFF;
	s21 =	sshll.u32 s7, $0x1;
	s4 =	sadd.s32 s5, s19  }
0x9d: {  	s8 =	simm.s32 $0x0;
	s20 =	sshll.u32 s6, $0x1;
	s6 =	sadd.s32 s21, s4  }
0x9e: {  	[timem:s8], [sflag:s22] =	dma.local [hbm:s6], s20  }
0x9f: {  	_ =	swait.ge [sflag:s22], s20  }
0xa0: {  	s5 =	ssub.s32 $0x0, s20;
	[sflag:s22] =	ssyncset.done $0x0  }
0xa1: {  	[sflag:s22] =	ssyncadd.s32 s5;
	_ =	sdelay $0x1  }
0xa2: {  	s23 =	simm.s32 $0x1B8B  }
0xa3: {  	_ =	swait.ge [sflag:s23], $0x1  }
0xa4: {  	[sflag:s23] =	ssyncset.done $0x0  }
0xa5: {  	s25 =	simm.s32 $0x1B8E;
	s24 =	sld [smem:$0x3FFE];
	[sflag:s23] =	ssyncadd.s32 $0xFFFFFFFF  }
0xa6: {  	s26 =	simm.s32 $execute0_lowered;
	[smem:$0x3FD2] =	sst s25  }
0xa7: {  	s6 =	sshll.u32 s26, $0x1;
	_ =	strace $0x80000049;
	[dreg:$0x1] =	wrdreg $0xFFFFFFFF  }
0xa8: {  	s28 =	simm.s32 $_size_execute0_lowered;
	s4 =	sadd.s32 s4, s6;
	[dreg:$0x0] =	wrdreg $0x0  }
0xa9: {  	s6 =	sshll.u32 s28, $0x1;
	[dreg:$0x2] =	wrdreg s4  }
0xaa: {  	[dreg:$0x3] =	wrdreg s6  }
0xab: {  	[dreg:$0x4] =	wrdreg $0xC0  }
0xac: {  	_ =	task [dreg:s8], $0x5FFFF  }
0xad: {  	[dreg:$0x1] =	wrdreg $0xFFFFFFFF  }
0xae: {  	[dreg:$0x0] =	wrdreg $0x60  }
0xaf: {  	[dreg:$0x2] =	wrdreg s2  }
0xb0: {  	[dreg:$0x3] =	wrdreg s24  }
0xb1: {  	[dreg:$0x4] =	wrdreg s18  }
0xb2: {  	[dreg:$0x5] =	wrdreg $0x9  }
0xb3: {  	_ =	task.clear_ibuf [dreg:s8], $0x6FFFF;
	_ =	strace $0x90000049  }
0xb4: {  	s29 =	simm.s32 $0x9;
	_ =	strace $0x8000004B  }
0xb5: {  	_ =	swait.ge [sflag:s29], $0x1  }
0xb6: {  	[sflag:s29] =	ssyncadd.s32 $0xFFFFFFFF  }
0xb7: {  	_ =	strace $0x9000004B  }
0xb8: {  	_ =	sfence  }
0xb9: {  	s30 =	sld [smem:$0x0];
	_ =	sdelay $0x2  }
0xba: {  	s31 =	sshll.u32 s1, $0xD;
	s1 =	sshrl.u32 s1, $0x2  }
0xbb: {  	s3 =	sand.u32 $0x4000, s31;
	s1 =	sadd.s32 s1, s30  }
0xbc: {  	s0 =	sor.u32 s3, s0;
	s1 =	sshll.u32 s1, $0x11  }
0xbd: {  	s0 =	sor.u32 s1, s0  }
0xbe: {  	s0 =	sadd.s32 $0x8F2B, s0  }
0xbf: {  	[sflag:s0] =	ssyncadd.remote.s32 $0x1  }
0xc0: {  	_ =	sfence.sel $0xFFFF  }
0xc1: {  	[dreg:$0x0] =	wrdreg $0xFFFFFFFF;
	(pc) =	sbr.abs _section_cstart, $3  }
0xc2: {  	[dreg:$0x1] =	wrdreg $0xFFFFFFFF  }
0xc3: {  	_ =	task.clear_ibuf [dreg:s8], $0x2FFFF;
	_ =	strace $0x9FFFFFFF  }
0xc4: {  	(tm) =	ssettm $0x7FFFFFFF  }
0xc5: {  	_ =	shalt  }
tec
execute0_lowered:
.L_overlay_start_1:
0x0: {  	(tag) =	ssettag $0x1  }
0x1: {  	s4 =	rddreg [dreg:$0x0]  }
0x2: {  	s5 =	rddreg [dreg:$0x1]  }
0x3: {  	s6 =	rddreg [dreg:$0x2]  }
0x4: {  	s0 =	rddreg [dreg:$0x3]  }
0x5: {  	s2 =	simm.s32 $0x0;
	s3 =	srdreg.scid;
	s1 =	stileid.u32  }
0x6: {  	s10 =	simm.s32 $0x80;
	s11 =	simm.s32 $0x200;
	s12 =	simm.s32 $0x400  }
0x7: {  	s13 =	simm.s32 $0x280;
	s14 =	simm.s32 $0x4400;
	s15 =	simm.s32 $0x1  }
0x8: {  	s16 =	simm.s32 $0x300;
	s17 =	simm.s32 $0x380;
	s18 =	simm.s32 $0x8600  }
0x9: {  	s19 =	simm.s32 $0x0;
	[smem:$0x7FF] =	sst s2;
	s3 =	sand.u32 $0x1, s3  }
0xa: {  	s7 =	sshll.u32 s1, $0x7;
	s8 =	sshll.u32 s3, $0x6;
	s9 =	ssub.s32 $0x2, s3  }
0xb: {  	_ =	strace $0x8000004A;
	s7 =	sor.u32 s8, s7;
	s31 =	sshrl.u32 s9, $0x1  }
0xc: {  	s3 =	sadd.s32 $0x6A00, s5;
	s5 =	sadd.s32 s7, s5;
	s8 =	ssub.s32 s9, s31  }
0xd: {  	v0 =	vlaneseq.u32;
	s4 =	sadd.s32 s4, s7;
	s6 =	sadd.s32 s6, s7;
	s9 =	simm.s32 $0x8400  }
0xe: {  	v0 =	vmul.u32 $0x80, v0;
	s5 =	sadd.s32 $0x6200, s5;
	s7 =	smax.u32 s8, $0x1;
	s8 =	simm.s32 $0x2  }
.LBB2_1:
0xf: {  	[tilespmem:s2], [sflag:$0x2] =	stream.linear.gather [hbm4b:s4+s2], $0x200, $0x38;
	[tilespmem:$0x8800] =	vst v63  }
0x10: {  	_ =	swait.ge [sflag:s8], $0x200  }
0x11: {  	[sflag:s8] =	ssyncset.done $0x0  }
0x12: {  	[sflag:s8] =	ssyncadd.s32 $0xFFFFFE00  }
0x13: {  	[tilespmem:s9], [sflag:$0x2] =	stream.linear.gather [hbm4b:s5+s2], $0x200, $0x38;
	[tilespmem:$0x8800] =	vst v63  }
0x14: {  	_ =	swait.ge [sflag:s8], $0x200  }
0x15: {  	[sflag:s8] =	ssyncset.done $0x0  }
0x16: {  	s20 =	simm.s32 $0x0;
	[sflag:s8] =	ssyncadd.s32 $0xFFFFFE00  }
0x17: {  	s21 =	simm.s32 $0x40;
	v1 =	vld [tilespmem:s20+$0x0]  }
.LBB2_2:
0x18: {  	p0 =	sne.s32 s21, $0x7C0  }
.Ltmp0:
0x19: {  	_ = 	snop;
	(pc) =	sbr.rel @p0 .LBB2_2-.Ltmp0, $3  }
0x1a: {  	_ =	sdelay $0x1  }
0x1b: {  	s22 =	sshra.s32 s21, $0x2;
	s21 =	sadd.s32 $0x40, s21;
	v2 =	vshrl.u32 v1, $0x7  }
0x1c: {  	v1 =	vld [tilespmem:s22+$0x0];
	[tilespmem:s20+$0x200] =	vst v2;
	s20 =	smov.u32 s22  }
0x1d: {  	_ =	sdelay $0x3  }
0x1e: {  	v1 =	vshrl.u32 v1, $0x7  }
0x1f: {  	[tilespmem:s20+$0x200] =	vst v1  }
0x20: {  	[tilespmem:s12], [sflag:$0x1] =	stream.indirect.gather [hbm4b:s3+s10], $0x80, s11, s10, $0xb8;
	[tilespmem:$0x8800] =	vst v63  }
0x21: {  	_ = 	snop  }
0x22: {  	[tilespmem:s14], [sflag:$0x1] =	stream.indirect.gather [hbm4b:s3+s10], $0x80, s13, s10, $0xb8;
	[tilespmem:$0x8800] =	vst v63  }
0x23: {  	_ =	swait.ge [sflag:s15], $0x4000  }
0x24: {  	[sflag:s15] =	ssyncset.done $0x0  }
0x25: {  	s31 =	simm.s32 $0x0;
	[sflag:s15] =	ssyncadd.s32 $0xFFFFC000  }
0x26: {  	v1 =	vld [tilespmem:s31+$0x0];
	_ =	sdelay $0x2  }
0x27: {  	v2 =	vmov s31  }
0x28: {  	v2 =	vshll.u32 v2, $0x7  }
0x29: {  	v2 =	vor.u32 v0, v2;
	v1 =	vand.u32 $0x7F, v1  }
0x2a: {  	v1 =	vor.u32 v2, v1;
	_ =	sdelay $0x2  }
0x2b: {  	s20 =	simm.s32 $0x8400  }
0x2c: {  	v2 =	vld [tilespmem:s20+$0x0]  }
0x2d: {  	v1 =	vld.idx.msk [tilespmem:v1+s12+$0x0], $0xffff;
	_ =	sdelay $0x4  }
0x2e: {  	v1 =	vadd.f32 v2, v1  }
0x2f: {  	s21 =	simm.s32 $0x8600  }
0x30: {  	s22 =	simm.s32 $0x10;
	[tilespmem:s21+$0x0] =	vst v1  }
0x31: {  	s23 =	simm.s32 $0x20;
	s24 =	simm.s32 $0x10;
	v1 =	vld [tilespmem:s22+$0x0]  }
.LBB2_4:
0x32: {  	p0 =	sne.s32 s23, $0x70;
	_ =	sdelay $0x1  }
0x33: {  	v2 =	vmov s22;
	s22 =	smov.u32 s23  }
0x34: {  	v2 =	vshll.u32 v2, $0x7  }
0x35: {  	v2 =	vor.u32 v0, v2;
	v1 =	vand.u32 $0x7F, v1  }
0x36: {  	v1 =	vor.u32 v2, v1;
	_ =	sdelay $0x4  }
0x37: {  	s20 =	sadd.s32 $0x10, s20;
	v1 =	vld.idx.msk [tilespmem:v1+s12+$0x0], $0xffff  }
0x38: {  	v2 =	vld [tilespmem:s20+$0x0];
	_ =	sdelay $0x3  }
.Ltmp1:
0x39: {  	(pc) =	sbr.rel @p0 .LBB2_4-.Ltmp1, $4  }
0x3a: {  	v1 =	vadd.f32 v2, v1  }
0x3b: {  	s21 =	sadd.s32 $0x10, s21  }
0x3c: {  	s24 =	sadd.s32 $0x10, s24;
	[tilespmem:s21+$0x0] =	vst v1  }
0x3d: {  	s23 =	sadd.s32 $0x10, s23;
	v1 =	vld [tilespmem:s24+$0x0]  }
0x3e: {  	_ =	sdelay $0x1  }
0x3f: {  	v2 =	vmov s22  }
0x40: {  	v2 =	vshll.u32 v2, $0x7  }
0x41: {  	v2 =	vor.u32 v0, v2;
	v1 =	vand.u32 $0x7F, v1  }
0x42: {  	v1 =	vor.u32 v2, v1;
	_ =	sdelay $0x2  }
0x43: {  	s20 =	sadd.s32 $0x10, s20  }
0x44: {  	v2 =	vld [tilespmem:s20+$0x0]  }
0x45: {  	v1 =	vld.idx.msk [tilespmem:v1+s12+$0x0], $0xffff;
	_ =	sdelay $0x4  }
0x46: {  	v1 =	vadd.f32 v2, v1  }
0x47: {  	s29 =	sadd.s32 $0x10, s21  }
0x48: {  	s30 =	simm.s32 $0x80;
	[tilespmem:s29+$0x0] =	vst v1  }
0x49: {  	[tilespmem:s12], [sflag:$0x1] =	stream.indirect.gather [hbm4b:s3+s30], $0x80, s16, s30, $0xb8;
	[tilespmem:$0x8800] =	vst v63  }
0x4a: {  	_ =	swait.ge [sflag:s15], $0x4000  }
0x4b: {  	[sflag:s15] =	ssyncset.done $0x0  }
0x4c: {  	[sflag:s15] =	ssyncadd.s32 $0xFFFFC000  }
0x4d: {  	v1 =	vld [tilespmem:s30+$0x0];
	_ =	sdelay $0x1  }
0x4e: {  	s31 =	simm.s32 $0x0  }
0x4f: {  	v2 =	vmov s31  }
0x50: {  	v2 =	vshll.u32 v2, $0x7  }
0x51: {  	v2 =	vor.u32 v0, v2;
	v1 =	vand.u32 $0x7F, v1  }
0x52: {  	v1 =	vor.u32 v2, v1;
	_ =	sdelay $0x2  }
0x53: {  	s20 =	simm.s32 $0x8480  }
0x54: {  	v2 =	vld [tilespmem:s20+$0x0]  }
0x55: {  	v1 =	vld.idx.msk [tilespmem:v1+s14+$0x0], $0xffff;
	_ =	sdelay $0x4  }
0x56: {  	v1 =	vadd.f32 v2, v1  }
0x57: {  	s21 =	simm.s32 $0x8680  }
0x58: {  	s22 =	simm.s32 $0x90;
	[tilespmem:s21+$0x0] =	vst v1  }
0x59: {  	s23 =	simm.s32 $0x10;
	s24 =	simm.s32 $0x20;
	v1 =	vld [tilespmem:s22+$0x0]  }
.LBB2_6:
0x5a: {  	p0 =	sne.s32 s24, $0x70;
	_ =	sdelay $0x1  }
0x5b: {  	v2 =	vmov s23;
	s23 =	smov.u32 s24  }
0x5c: {  	v2 =	vshll.u32 v2, $0x7  }
0x5d: {  	v2 =	vor.u32 v0, v2;
	v1 =	vand.u32 $0x7F, v1  }
0x5e: {  	v1 =	vor.u32 v2, v1;
	_ =	sdelay $0x4  }
0x5f: {  	s20 =	sadd.s32 $0x10, s20;
	v1 =	vld.idx.msk [tilespmem:v1+s14+$0x0], $0xffff  }
0x60: {  	v2 =	vld [tilespmem:s20+$0x0];
	_ =	sdelay $0x3  }
.Ltmp2:
0x61: {  	(pc) =	sbr.rel @p0 .LBB2_6-.Ltmp2, $4  }
0x62: {  	v1 =	vadd.f32 v2, v1  }
0x63: {  	s21 =	sadd.s32 $0x10, s21  }
0x64: {  	s22 =	sadd.s32 $0x10, s22;
	[tilespmem:s21+$0x0] =	vst v1  }
0x65: {  	s24 =	sadd.s32 $0x10, s24;
	v1 =	vld [tilespmem:s22+$0x0]  }
0x66: {  	_ =	sdelay $0x1  }
0x67: {  	v2 =	vmov s23  }
0x68: {  	v2 =	vshll.u32 v2, $0x7  }
0x69: {  	v2 =	vor.u32 v0, v2;
	v1 =	vand.u32 $0x7F, v1  }
0x6a: {  	v1 =	vor.u32 v2, v1;
	_ =	sdelay $0x2  }
0x6b: {  	s20 =	sadd.s32 $0x10, s20  }
0x6c: {  	v2 =	vld [tilespmem:s20+$0x0]  }
0x6d: {  	v1 =	vld.idx.msk [tilespmem:v1+s14+$0x0], $0xffff;
	_ =	sdelay $0x4  }
0x6e: {  	v1 =	vadd.f32 v2, v1  }
0x6f: {  	s29 =	sadd.s32 $0x10, s21  }
0x70: {  	[tilespmem:s29+$0x0] =	vst v1  }
0x71: {  	[tilespmem:s14], [sflag:$0x1] =	stream.indirect.gather [hbm4b:s3+s10], $0x80, s17, s10, $0xb8;
	[tilespmem:$0x8800] =	vst v63  }
0x72: {  	_ =	swait.ge [sflag:s15], $0x4000  }
0x73: {  	[sflag:s15] =	ssyncset.done $0x0  }
0x74: {  	s30 =	simm.s32 $0x100;
	[sflag:s15] =	ssyncadd.s32 $0xFFFFC000  }
0x75: {  	v1 =	vld [tilespmem:s30+$0x0];
	_ =	sdelay $0x1  }
0x76: {  	s31 =	simm.s32 $0x0  }
0x77: {  	v2 =	vmov s31  }
0x78: {  	v2 =	vshll.u32 v2, $0x7  }
0x79: {  	v2 =	vor.u32 v0, v2;
	v1 =	vand.u32 $0x7F, v1  }
0x7a: {  	v1 =	vor.u32 v2, v1;
	_ =	sdelay $0x2  }
0x7b: {  	s20 =	simm.s32 $0x8500  }
0x7c: {  	v2 =	vld [tilespmem:s20+$0x0]  }
0x7d: {  	v1 =	vld.idx.msk [tilespmem:v1+s12+$0x0], $0xffff;
	_ =	sdelay $0x4  }
0x7e: {  	v1 =	vadd.f32 v2, v1  }
0x7f: {  	s21 =	simm.s32 $0x8700  }
0x80: {  	s22 =	simm.s32 $0x110;
	[tilespmem:s21+$0x0] =	vst v1  }
0x81: {  	s23 =	simm.s32 $0x10;
	s24 =	simm.s32 $0x20;
	v1 =	vld [tilespmem:s22+$0x0]  }
.LBB2_8:
0x82: {  	p0 =	sne.s32 s24, $0x70;
	_ =	sdelay $0x1  }
0x83: {  	v2 =	vmov s23;
	s23 =	smov.u32 s24  }
0x84: {  	v2 =	vshll.u32 v2, $0x7  }
0x85: {  	v2 =	vor.u32 v0, v2;
	v1 =	vand.u32 $0x7F, v1  }
0x86: {  	v1 =	vor.u32 v2, v1;
	_ =	sdelay $0x4  }
0x87: {  	s20 =	sadd.s32 $0x10, s20;
	v1 =	vld.idx.msk [tilespmem:v1+s12+$0x0], $0xffff  }
0x88: {  	v2 =	vld [tilespmem:s20+$0x0];
	_ =	sdelay $0x3  }
.Ltmp3:
0x89: {  	(pc) =	sbr.rel @p0 .LBB2_8-.Ltmp3, $4  }
0x8a: {  	v1 =	vadd.f32 v2, v1  }
0x8b: {  	s21 =	sadd.s32 $0x10, s21  }
0x8c: {  	s22 =	sadd.s32 $0x10, s22;
	[tilespmem:s21+$0x0] =	vst v1  }
0x8d: {  	s24 =	sadd.s32 $0x10, s24;
	v1 =	vld [tilespmem:s22+$0x0]  }
0x8e: {  	_ =	sdelay $0x1  }
0x8f: {  	v2 =	vmov s23  }
0x90: {  	v2 =	vshll.u32 v2, $0x7  }
0x91: {  	v2 =	vor.u32 v0, v2;
	v1 =	vand.u32 $0x7F, v1  }
0x92: {  	v1 =	vor.u32 v2, v1;
	_ =	sdelay $0x2  }
0x93: {  	s20 =	sadd.s32 $0x10, s20  }
0x94: {  	v2 =	vld [tilespmem:s20+$0x0]  }
0x95: {  	v1 =	vld.idx.msk [tilespmem:v1+s12+$0x0], $0xffff;
	_ =	sdelay $0x4  }
0x96: {  	v1 =	vadd.f32 v2, v1  }
0x97: {  	s29 =	sadd.s32 $0x10, s21  }
0x98: {  	[tilespmem:s29+$0x0] =	vst v1  }
0x99: {  	_ =	swait.ge [sflag:s15], $0x4000  }
0x9a: {  	[sflag:s15] =	ssyncset.done $0x0  }
0x9b: {  	s30 =	simm.s32 $0x180;
	[sflag:s15] =	ssyncadd.s32 $0xFFFFC000  }
0x9c: {  	v1 =	vld [tilespmem:s30+$0x0];
	_ =	sdelay $0x1  }
0x9d: {  	s31 =	simm.s32 $0x0  }
0x9e: {  	v2 =	vmov s31  }
0x9f: {  	v2 =	vshll.u32 v2, $0x7  }
0xa0: {  	v2 =	vor.u32 v0, v2;
	v1 =	vand.u32 $0x7F, v1  }
0xa1: {  	v1 =	vor.u32 v2, v1;
	_ =	sdelay $0x2  }
0xa2: {  	s20 =	simm.s32 $0x8580  }
0xa3: {  	v2 =	vld [tilespmem:s20+$0x0]  }
0xa4: {  	v1 =	vld.idx.msk [tilespmem:v1+s14+$0x0], $0xffff;
	_ =	sdelay $0x4  }
0xa5: {  	v1 =	vadd.f32 v2, v1  }
0xa6: {  	s21 =	simm.s32 $0x8780  }
0xa7: {  	s22 =	simm.s32 $0x190;
	[tilespmem:s21+$0x0] =	vst v1  }
0xa8: {  	s23 =	simm.s32 $0x10;
	s24 =	simm.s32 $0x20;
	v1 =	vld [tilespmem:s22+$0x0]  }
.LBB2_10:
0xa9: {  	p0 =	sne.s32 s24, $0x70;
	_ =	sdelay $0x1  }
0xaa: {  	v2 =	vmov s23;
	s23 =	smov.u32 s24  }
0xab: {  	v2 =	vshll.u32 v2, $0x7  }
0xac: {  	v2 =	vor.u32 v0, v2;
	v1 =	vand.u32 $0x7F, v1  }
0xad: {  	v1 =	vor.u32 v2, v1;
	_ =	sdelay $0x4  }
0xae: {  	s20 =	sadd.s32 $0x10, s20;
	v1 =	vld.idx.msk [tilespmem:v1+s14+$0x0], $0xffff  }
0xaf: {  	v2 =	vld [tilespmem:s20+$0x0];
	_ =	sdelay $0x3  }
.Ltmp4:
0xb0: {  	(pc) =	sbr.rel @p0 .LBB2_10-.Ltmp4, $4  }
0xb1: {  	v1 =	vadd.f32 v2, v1  }
0xb2: {  	s21 =	sadd.s32 $0x10, s21  }
0xb3: {  	s22 =	sadd.s32 $0x10, s22;
	[tilespmem:s21+$0x0] =	vst v1  }
0xb4: {  	s24 =	sadd.s32 $0x10, s24;
	v1 =	vld [tilespmem:s22+$0x0]  }
0xb5: {  	_ =	sdelay $0x1  }
0xb6: {  	v2 =	vmov s23  }
0xb7: {  	v2 =	vshll.u32 v2, $0x7  }
0xb8: {  	v2 =	vor.u32 v0, v2;
	v1 =	vand.u32 $0x7F, v1  }
0xb9: {  	v1 =	vor.u32 v2, v1;
	_ =	sdelay $0x2  }
0xba: {  	s20 =	sadd.s32 $0x10, s20  }
0xbb: {  	v2 =	vld [tilespmem:s20+$0x0]  }
0xbc: {  	v1 =	vld.idx.msk [tilespmem:v1+s14+$0x0], $0xffff;
	_ =	sdelay $0x4  }
0xbd: {  	s19 =	sadd.s32 $0x1, s19;
	v1 =	vadd.f32 v2, v1  }
0xbe: {  	s31 =	sadd.s32 $0x10, s21;
	p0 =	sne.s32 s19, s7  }
.Ltmp5:
0xbf: {  	[tilespmem:s31+$0x0] =	vst v1;
	(pc) =	sbr.rel @p0 .LBB2_1-.Ltmp5, $4  }
0xc0: {  	[hbm4b:s6+s2] =	stream.linear.scatter [tilespmem:s18], [sflag:$0x2], $0x200, $0x38;
	[tilespmem:$0x8800] =	vst v63  }
0xc1: {  	_ =	swait.ge [sflag:s8], $0x200  }
0xc2: {  	[sflag:s8] =	ssyncset.done $0x0  }
0xc3: {  	[sflag:s8] =	ssyncadd.s32 $0xFFFFFE00  }
0xc4: {  	_ =	sfence.sel $0x180000  }
0xc5: {  	[bflag:$0x0] =	sbarrier.arrive $0xFFFF  }
0xc6: {  	p0 =	sne.s32 s1, $0x0;
	_ =	strace $0x9000004A  }
0xc7: {  	s0 =	sadd.s32 @!p0 $0x100000, s0;
	[bflag:$0x2] =	sbarrier.arrive $0xFFFF  }
0xc8: {  	[sflag:s0] =	ssyncadd.tile.s32 @!p0 $0x1;
	_ =	shalt  }
.Lfunc_end2:
_tile_overlayer_lowered:
.L_overlay_start_2:
0xc9: {  	(tag) =	ssettag $0x2  }
0xca: {  	s0 =	rddreg [dreg:$0x0];
	s2 =	stileid.u32  }
0xcb: {  	s1 =	rddreg [dreg:$0x1];
	p0 =	sne.s32 s2, $0x0  }
0xcc: {  	s3 =	rddreg [dreg:$0x2];
	[bflag:$0x3] =	sbarrier.arrive $0xFFFF;
	s2 =	simm.s32 @!p0 $0x1C02  }
0xcd: {  	[timem:s3], [sflag:s2] =	dma.local @!p0 [hbm:s0], s1  }
0xce: {  	s0 =	simm.s32 @!p0 $0x2  }
0xcf: {  	_ =	swait.ge @!p0 [sflag:s0], s1  }
0xd0: {  	s1 =	ssub.s32 @!p0 $0x0, s1;
	[sflag:s0] =	ssyncset.done @!p0 $0x0  }
0xd1: {  	[sflag:s0] =	ssyncadd.s32 @!p0 s1  }
0xd2: {  	[bflag:$0x3] =	sbarrier.arrive $0xFFFF  }
0xd3: {  	_ =	shalt  }

</sc_bundles>
